<compile_context>
chip_gen: v7x
topology: tpu7x:2x2x1
jax: 0.10.2.dev20260603
libtpu: 0.0.44.dev20260713+nightly
codegen_flags: <defaults>
</compile_context>

<pallas_src>
import functools

import jax
import jax.numpy as jnp
from jax import lax
from jax.experimental import pallas as pl
from jax.experimental.pallas import tpu as pltpu
from jax.experimental.pallas import tpu_sc as plsc

NW = 32
CHUNK = 8
LANES = 16


def _sc_norm(x, coefA, coefB):
    n, d = x.shape
    rows_per_w = n // NW
    nchunks = rows_per_w // CHUNK
    mesh = plsc.VectorSubcoreMesh(core_axis_name="c", subcore_axis_name="s")

    @functools.partial(
        pl.kernel, mesh=mesh,
        out_type=jax.ShapeDtypeStruct((n, d), jnp.float32),
        scratch_types=[
            pltpu.VMEM((1, d), jnp.float32),
            pltpu.VMEM((1, d), jnp.float32),
            pltpu.VMEM((CHUNK, d), jnp.float32),
        ],
    )
    def probe(x_hbm, a_hbm, b_hbm, out_hbm, a_v, b_v, buf_v):
        w = lax.axis_index("s") * 2 + lax.axis_index("c")
        base = w * rows_per_w
        pltpu.sync_copy(a_hbm, a_v)
        pltpu.sync_copy(b_hbm, b_v)

        def chunk_body(ci, _):
            r0 = base + ci * CHUNK
            pltpu.sync_copy(x_hbm.at[pl.ds(r0, CHUNK), :], buf_v)
            for r in range(CHUNK):
                for g in range(d // LANES):
                    sl = pl.ds(g * LANES, LANES)
                    v = buf_v[r, sl] * a_v[0, sl] + b_v[0, sl]
                    buf_v[r, sl] = jnp.maximum(v, 0.0)
            pltpu.sync_copy(buf_v, out_hbm.at[pl.ds(r0, CHUNK), :])
            return _

        lax.fori_loop(0, nchunks, chunk_body, 0)

    return probe(x, coefA.reshape(1, d), coefB.reshape(1, d))


def kernel(feat, edge_index, attn_matrix, has_cn, W_node, b_node, W_nb, b_nb,
           alpha, gamma, beta):
    n, d = feat.shape
    coefA = gamma
    coefB = beta
    x = feat
    n32 = (n // (NW * CHUNK)) * (NW * CHUNK)
    y = _sc_norm(x[:n32], coefA, coefB)
    return jnp.concatenate([y, jnp.maximum(coefA * x[n32:] + coefB, 0.0)],
                           axis=0)

# --- scband reference (transcript-rebuilt; emitter-appended) ---
"""Pipeline reference for scband-ncnlayer-18253611008505 (READ-ONLY COPY).

The authoritative reference and input builder live on the scoring server;
editing this copy changes nothing except your own understanding.
"""

import jax, jax.numpy as jnp
import numpy as np

N = 10000
E = 320000
D_IN = 128
D_OUT = 128
CN_THRESHOLD = 1
EPS = 1e-08


def _compute_cn_dense(edge_index_np):
    # Mirrors NCNLayer._compute_cn_data dense branch (cached after first forward).
    adj = np.zeros((N, N), dtype=np.float32)
    adj[edge_index_np[0], edge_index_np[1]] = 1.0
    cn = adj @ adj
    del adj
    np.fill_diagonal(cn, 0.0)
    cn = cn * (cn >= CN_THRESHOLD).astype(np.float32)
    has_cn = (cn.sum(axis=1, keepdims=True) > 0).astype(np.float32)
    scores = np.log1p(cn)
    scores = np.where(cn == 0.0, np.float32(-1e9), scores).astype(np.float32)
    m = scores.max(axis=1, keepdims=True)
    e = np.exp(scores - m, dtype=np.float32)
    attn = e / e.sum(axis=1, keepdims=True)
    attn = (attn * has_cn).astype(np.float32)  # zero rows with no common neighbor
    del cn, scores, e
    return attn, has_cn.astype(np.float32)


def setup_inputs(seed: int = 0) -> dict:
    key = jax.random.key(seed)
    k1, k2, k3, k4, k5 = jax.random.split(key, 5)
    rng = np.random.default_rng(0)
    edge_index_np = rng.integers(0, N, size=(2, E), dtype=np.int64)
    attn_matrix_np, has_cn_np = _compute_cn_dense(edge_index_np)

    feat = jax.random.normal(k1, (N, D_IN), dtype=jnp.float32)
    bound = 1.0 / np.sqrt(D_IN)
    W_node = jax.random.uniform(k2, (D_IN, D_OUT), dtype=jnp.float32, minval=-bound, maxval=bound)
    b_node = jax.random.uniform(k3, (D_OUT,), dtype=jnp.float32, minval=-bound, maxval=bound)
    W_nb = jax.random.uniform(k4, (D_IN, D_OUT), dtype=jnp.float32, minval=-bound, maxval=bound)
    b_nb = jax.random.uniform(k5, (D_OUT,), dtype=jnp.float32, minval=-bound, maxval=bound)

    return {
        'feat': feat,
        'edge_index': jnp.asarray(edge_index_np),
        'attn_matrix': jnp.asarray(attn_matrix_np),
        'has_cn': jnp.asarray(has_cn_np),
        'W_node': W_node,
        'b_node': b_node,
        'W_nb': W_nb,
        'b_nb': b_nb,
        'alpha': jnp.zeros((1,), dtype=jnp.float32),
        'gamma': jnp.ones((D_OUT,), dtype=jnp.float32),
        'beta': jnp.zeros((D_OUT,), dtype=jnp.float32),
    }


def reference(feat, edge_index, attn_matrix, has_cn, W_node, b_node, W_nb, b_nb, alpha, gamma, beta):
    # node_transform
    node_out = feat @ W_node + b_node
    # dense CN attention aggregation (cached attn_matrix), then neighbor_transform
    neighbor_feat = attn_matrix @ feat
    neighbor_out = neighbor_feat @ W_nb + b_nb
    gate = jax.nn.sigmoid(alpha)
    out = node_out + gate * has_cn * neighbor_out
    # LearnableZScoreNorm (torch std is unbiased -> ddof=1)
    mean = out.mean(axis=0, keepdims=True)
    std = out.std(axis=0, keepdims=True, ddof=1)
    out = (out - mean) / (std + EPS)
    out = gamma * out + beta
    # activation ReLU; dropout is identity in eval
    out = jax.nn.relu(out)
    return out

if __name__ == "__main__":
    import jax
    _d = setup_inputs()
    print(jax.jit(kernel)(*tuple(_d.values())))

</pallas_src>

<mosaic_0001>
#map = affine_map<(d0, d1) -> (0, 0)>
module attributes {stable_mosaic.version = 14 : i64} {
  func.func @probe(%arg0: i32, %arg1: i32, %arg2: memref<9984x128xf32, #tpu.memory_space<hbm>>, %arg3: memref<1x128xf32, #tpu.memory_space<hbm>>, %arg4: memref<1x128xf32, #tpu.memory_space<hbm>>, %arg5: memref<9984x128xf32, #tpu.memory_space<hbm>>, %arg6: memref<1x128xf32, #tpu.memory_space<vmem>>, %arg7: memref<1x128xf32, #tpu.memory_space<vmem>>, %arg8: memref<8x128xf32, #tpu.memory_space<vmem>>) attributes {dimension_semantics = [#tpu.dimension_semantics<core_parallel>, #tpu.dimension_semantics<subcore_parallel>], iteration_bounds = array<i64: 2, 16>, scalar_prefetch = 0 : i64, scratch_operands = 3 : i64, tpu.core_type = #tpu.core_type<sc_vector_subcore>, window_params = [{transform_indices = #map}, {transform_indices = #map}, {transform_indices = #map}, {transform_indices = #map}]} {
    %mul3A = arith.constant 2 : i32
    %mul3A_0 = arith.muli %arg1, %mul3A : i32
    %add3A = arith.addi %mul3A_0, %arg0 : i32
    %mul3A_1 = arith.constant 312 : i32
    %mul3A_2 = arith.muli %add3A, %mul3A_1 : i32
    "tpu.region"() ({
      %run_scoped3A = tpu.sem_alloc : memref<!tpu.dma_semaphore, #tpu.memory_space<semaphore_mem>>
      tpu.enqueue_dma source(%arg3 : memref<1x128xf32, #tpu.memory_space<hbm>>) target(%arg6 : memref<1x128xf32, #tpu.memory_space<vmem>>) target_semaphore(%run_scoped3A : memref<!tpu.dma_semaphore, #tpu.memory_space<semaphore_mem>>)
      tpu.wait_dma2 semaphore(%run_scoped3A : memref<!tpu.dma_semaphore, #tpu.memory_space<semaphore_mem>>) src(%arg3 : memref<1x128xf32, #tpu.memory_space<hbm>>) dst(%arg6 : memref<1x128xf32, #tpu.memory_space<vmem>>)
      tpu.yield
    }) : () -> ()
    "tpu.region"() ({
      %run_scoped3A = tpu.sem_alloc : memref<!tpu.dma_semaphore, #tpu.memory_space<semaphore_mem>>
      tpu.enqueue_dma source(%arg4 : memref<1x128xf32, #tpu.memory_space<hbm>>) target(%arg7 : memref<1x128xf32, #tpu.memory_space<vmem>>) target_semaphore(%run_scoped3A : memref<!tpu.dma_semaphore, #tpu.memory_space<semaphore_mem>>)
      tpu.wait_dma2 semaphore(%run_scoped3A : memref<!tpu.dma_semaphore, #tpu.memory_space<semaphore_mem>>) src(%arg4 : memref<1x128xf32, #tpu.memory_space<hbm>>) dst(%arg7 : memref<1x128xf32, #tpu.memory_space<vmem>>)
      tpu.yield
    }) : () -> ()
    %scan3A = arith.constant 0 : i32
    %scan3A_3 = arith.constant 0 : i32
    %scan3A_4 = arith.constant 39 : i32
    %scan3A_5 = arith.addi %scan3A_3, %scan3A_4 : i32
    %scan3A_6 = arith.constant 1 : i32
    scf.for %scan3A_8 = %scan3A_3 to %scan3A_5 step %scan3A_6  : i32 {
      %mul3A_9 = arith.constant 8 : i32
      %mul3A_10 = arith.muli %scan3A_8, %mul3A_9 : i32
      %add3A_11 = arith.addi %mul3A_2, %mul3A_10 : i32
      "tpu.region"() ({
        %run_scoped3A = tpu.sem_alloc : memref<!tpu.dma_semaphore, #tpu.memory_space<semaphore_mem>>
        %dma_start3A = arith.constant 0 : i32
        %dma_start3A_1673 = tpu.memref_slice %arg2[%add3A_11, %dma_start3A] : memref<9984x128xf32, #tpu.memory_space<hbm>> -> memref<8x128xf32, #tpu.memory_space<hbm>>
        %dma_start3A_1674 = arith.constant 0 : i32
        %dma_start3A_1675 = tpu.memref_slice %arg2[%add3A_11, %dma_start3A_1674] : memref<9984x128xf32, #tpu.memory_space<hbm>> -> memref<8x128xf32, #tpu.memory_space<hbm>>
        tpu.enqueue_dma source(%dma_start3A_1675 : memref<8x128xf32, #tpu.memory_space<hbm>>) target(%arg8 : memref<8x128xf32, #tpu.memory_space<vmem>>) target_semaphore(%run_scoped3A : memref<!tpu.dma_semaphore, #tpu.memory_space<semaphore_mem>>)
        %dma_wait3A = arith.constant 0 : i32
        %dma_wait3A_1676 = tpu.memref_slice %arg2[%add3A_11, %dma_wait3A] : memref<9984x128xf32, #tpu.memory_space<hbm>> -> memref<8x128xf32, #tpu.memory_space<hbm>>
        %dma_wait3A_1677 = arith.constant 0 : i32
        %dma_wait3A_1678 = tpu.memref_slice %arg2[%add3A_11, %dma_wait3A_1677] : memref<9984x128xf32, #tpu.memory_space<hbm>> -> memref<8x128xf32, #tpu.memory_space<hbm>>
        tpu.wait_dma2 semaphore(%run_scoped3A : memref<!tpu.dma_semaphore, #tpu.memory_space<semaphore_mem>>) src(%dma_wait3A_1678 : memref<8x128xf32, #tpu.memory_space<hbm>>) dst(%arg8 : memref<8x128xf32, #tpu.memory_space<vmem>>)
        tpu.yield
      }) : () -> ()
      %get3A = arith.constant 0 : i32
      %get3A_12 = arith.index_cast %get3A : i32 to index
      %get3A_13 = arith.constant 0 : index
      %get3A_14 = tpu.vector_load %arg8[%get3A_12, %get3A_13] {strides = array<i32>} : memref<8x128xf32, #tpu.memory_space<vmem>>, vector<1x16xf32>,
      %get3A_15 = vector.shape_cast %get3A_14 : vector<1x16xf32> to vector<16xf32>
      %get3A_16 = arith.constant 0 : i32
      %get3A_17 = arith.index_cast %get3A_16 : i32 to index
      %get3A_18 = arith.constant 0 : index
      %get3A_19 = tpu.vector_load %arg6[%get3A_17, %get3A_18] {strides = array<i32>} : memref<1x128xf32, #tpu.memory_space<vmem>>, vector<1x16xf32>,
      %get3A_20 = vector.shape_cast %get3A_19 : vector<1x16xf32> to vector<16xf32>
      %mul3A_21 = arith.mulf %get3A_15, %get3A_20 : vector<16xf32>
      %get3A_22 = arith.constant 0 : i32
      %get3A_23 = arith.index_cast %get3A_22 : i32 to index
      %get3A_24 = arith.constant 0 : index
      %get3A_25 = tpu.vector_load %arg7[%get3A_23, %get3A_24] {strides = array<i32>} : memref<1x128xf32, #tpu.memory_space<vmem>>, vector<1x16xf32>,
      %get3A_26 = vector.shape_cast %get3A_25 : vector<1x16xf32> to vector<16xf32>
      %add3A_27 = arith.addf %mul3A_21, %get3A_26 : vector<16xf32>
      %max3A = arith.constant 0.000000e+00 : f32
      %max3A_28 = vector.broadcast %max3A : f32 to vector<16xf32>
      %max3A_29 = arith.maximumf %add3A_27, %max3A_28 : vector<16xf32>
      %swap3A = arith.constant 0 : i32
      %swap3A_30 = arith.index_cast %swap3A : i32 to index
      %swap3A_31 = arith.constant 0 : index
      %swap3A_32 = tpu.vector_load %arg8[%swap3A_30, %swap3A_31] {strides = array<i32>} : memref<8x128xf32, #tpu.memory_space<vmem>>, vector<1x16xf32>,
      %swap3A_33 = vector.shape_cast %swap3A_32 : vector<1x16xf32> to vector<16xf32>
      %swap3A_34 = vector.shape_cast %max3A_29 : vector<16xf32> to vector<1x16xf32>
      tpu.vector_store %arg8[%swap3A_30, %swap3A_31], %swap3A_34 {strides = array<i32>} : memref<8x128xf32, #tpu.memory_space<vmem>>, vector<1x16xf32>,
      %get3A_35 = arith.constant 0 : i32
      %get3A_36 = arith.index_cast %get3A_35 : i32 to index
      %get3A_37 = arith.constant 16 : index
      %get3A_38 = tpu.vector_load %arg8[%get3A_36, %get3A_37] {strides = array<i32>} : memref<8x128xf32, #tpu.memory_space<vmem>>, vector<1x16xf32>,
      %get3A_39 = vector.shape_cast %get3A_38 : vector<1x16xf32> to vector<16xf32>
      %get3A_40 = arith.constant 0 : i32
      %get3A_41 = arith.index_cast %get3A_40 : i32 to index
      %get3A_42 = arith.constant 16 : index
      %get3A_43 = tpu.vector_load %arg6[%get3A_41, %get3A_42] {strides = array<i32>} : memref<1x128xf32, #tpu.memory_space<vmem>>, vector<1x16xf32>,
      %get3A_44 = vector.shape_cast %get3A_43 : vector<1x16xf32> to vector<16xf32>
      %mul3A_45 = arith.mulf %get3A_39, %get3A_44 : vector<16xf32>
      %get3A_46 = arith.constant 0 : i32
      %get3A_47 = arith.index_cast %get3A_46 : i32 to index
      %get3A_48 = arith.constant 16 : index
      %get3A_49 = tpu.vector_load %arg7[%get3A_47, %get3A_48] {strides = array<i32>} : memref<1x128xf32, #tpu.memory_space<vmem>>, vector<1x16xf32>,
      %get3A_50 = vector.shape_cast %get3A_49 : vector<1x16xf32> to vector<16xf32>
      %add3A_51 = arith.addf %mul3A_45, %get3A_50 : vector<16xf32>
      %max3A_52 = arith.constant 0.000000e+00 : f32
      %max3A_53 = vector.broadcast %max3A_52 : f32 to vector<16xf32>
      %max3A_54 = arith.maximumf %add3A_51, %max3A_53 : vector<16xf32>
      %swap3A_55 = arith.constant 0 : i32
      %swap3A_56 = arith.index_cast %swap3A_55 : i32 to index
      %swap3A_57 = arith.constant 16 : index
      %swap3A_58 = tpu.vector_load %arg8[%swap3A_56, %swap3A_57] {strides = array<i32>} : memref<8x128xf32, #tpu.memory_space<vmem>>, vector<1x16xf32>,
      %swap3A_59 = vector.shape_cast %swap3A_58 : vector<1x16xf32> to vector<16xf32>
      %swap3A_60 = vector.shape_cast %max3A_54 : vector<16xf32> to vector<1x16xf32>
      tpu.vector_store %arg8[%swap3A_56, %swap3A_57], %swap3A_60 {strides = array<i32>} : memref<8x128xf32, #tpu.memory_space<vmem>>, vector<1x16xf32>,
      %get3A_61 = arith.constant 0 : i32
      %get3A_62 = arith.index_cast %get3A_61 : i32 to index
      %get3A_63 = arith.constant 32 : index
      %get3A_64 = tpu.vector_load %arg8[%get3A_62, %get3A_63] {strides = array<i32>} : memref<8x128xf32, #tpu.memory_space<vmem>>, vector<1x16xf32>,
      %get3A_65 = vector.shape_cast %get3A_64 : vector<1x16xf32> to vector<16xf32>
      %get3A_66 = arith.constant 0 : i32
      %get3A_67 = arith.index_cast %get3A_66 : i32 to index
      %get3A_68 = arith.constant 32 : index
      %get3A_69 = tpu.vector_load %arg6[%get3A_67, %get3A_68] {strides = array<i32>} : memref<1x128xf32, #tpu.memory_space<vmem>>, vector<1x16xf32>,
      %get3A_70 = vector.shape_cast %get3A_69 : vector<1x16xf32> to vector<16xf32>
      %mul3A_71 = arith.mulf %get3A_65, %get3A_70 : vector<16xf32>
      %get3A_72 = arith.constant 0 : i32
      %get3A_73 = arith.index_cast %get3A_72 : i32 to index
      %get3A_74 = arith.constant 32 : index
      %get3A_75 = tpu.vector_load %arg7[%get3A_73, %get3A_74] {strides = array<i32>} : memref<1x128xf32, #tpu.memory_space<vmem>>, vector<1x16xf32>,
      %get3A_76 = vector.shape_cast %get3A_75 : vector<1x16xf32> to vector<16xf32>
      %add3A_77 = arith.addf %mul3A_71, %get3A_76 : vector<16xf32>
      %max3A_78 = arith.constant 0.000000e+00 : f32
      %max3A_79 = vector.broadcast %max3A_78 : f32 to vector<16xf32>
      %max3A_80 = arith.maximumf %add3A_77, %max3A_79 : vector<16xf32>
      %swap3A_81 = arith.constant 0 : i32
      %swap3A_82 = arith.index_cast %swap3A_81 : i32 to index
      %swap3A_83 = arith.constant 32 : index
      %swap3A_84 = tpu.vector_load %arg8[%swap3A_82, %swap3A_83] {strides = array<i32>} : memref<8x128xf32, #tpu.memory_space<vmem>>, vector<1x16xf32>,
      %swap3A_85 = vector.shape_cast %swap3A_84 : vector<1x16xf32> to vector<16xf32>
      %swap3A_86 = vector.shape_cast %max3A_80 : vector<16xf32> to vector<1x16xf32>
      tpu.vector_store %arg8[%swap3A_82, %swap3A_83], %swap3A_86 {strides = array<i32>} : memref<8x128xf32, #tpu.memory_space<vmem>>, vector<1x16xf32>,
      %get3A_87 = arith.constant 0 : i32
      %get3A_88 = arith.index_cast %get3A_87 : i32 to index
      %get3A_89 = arith.constant 48 : index
      %get3A_90 = tpu.vector_load %arg8[%get3A_88, %get3A_89] {strides = array<i32>} : memref<8x128xf32, #tpu.memory_space<vmem>>, vector<1x16xf32>,
      %get3A_91 = vector.shape_cast %get3A_90 : vector<1x16xf32> to vector<16xf32>
      %get3A_92 = arith.constant 0 : i32
      %get3A_93 = arith.index_cast %get3A_92 : i32 to index
      %get3A_94 = arith.constant 48 : index
      %get3A_95 = tpu.vector_load %arg6[%get3A_93, %get3A_94] {strides = array<i32>} : memref<1x128xf32, #tpu.memory_space<vmem>>, vector<1x16xf32>,
      %get3A_96 = vector.shape_cast %get3A_95 : vector<1x16xf32> to vector<16xf32>
      %mul3A_97 = arith.mulf %get3A_91, %get3A_96 : vector<16xf32>
      %get3A_98 = arith.constant 0 : i32
      %get3A_99 = arith.index_cast %get3A_98 : i32 to index
      %get3A_100 = arith.constant 48 : index
      %get3A_101 = tpu.vector_load %arg7[%get3A_99, %get3A_100] {strides = array<i32>} : memref<1x128xf32, #tpu.memory_space<vmem>>, vector<1x16xf32>,
      %get3A_102 = vector.shape_cast %get3A_101 : vector<1x16xf32> to vector<16xf32>
      %add3A_103 = arith.addf %mul3A_97, %get3A_102 : vector<16xf32>
      %max3A_104 = arith.constant 0.000000e+00 : f32
      %max3A_105 = vector.broadcast %max3A_104 : f32 to vector<16xf32>
      %max3A_106 = arith.maximumf %add3A_103, %max3A_105 : vector<16xf32>
      %swap3A_107 = arith.constant 0 : i32
      %swap3A_108 = arith.index_cast %swap3A_107 : i32 to index
      %swap3A_109 = arith.constant 48 : index
      %swap3A_110 = tpu.vector_load %arg8[%swap3A_108, %swap3A_109] {strides = array<i32>} : memref<8x128xf32, #tpu.memory_space<vmem>>, vector<1x16xf32>,
      %swap3A_111 = vector.shape_cast %swap3A_110 : vector<1x16xf32> to vector<16xf32>
      %swap3A_112 = vector.shape_cast %max3A_106 : vector<16xf32> to vector<1x16xf32>
      tpu.vector_store %arg8[%swap3A_108, %swap3A_109], %swap3A_112 {strides = array<i32>} : memref<8x128xf32, #tpu.memory_space<vmem>>, vector<1x16xf32>,
      %get3A_113 = arith.constant 0 : i32
      %get3A_114 = arith.index_cast %get3A_113 : i32 to index
      %get3A_115 = arith.constant 64 : index
      %get3A_116 = tpu.vector_load %arg8[%get3A_114, %get3A_115] {strides = array<i32>} : memref<8x128xf32, #tpu.memory_space<vmem>>, vector<1x16xf32>,
      %get3A_117 = vector.shape_cast %get3A_116 : vector<1x16xf32> to vector<16xf32>
      %get3A_118 = arith.constant 0 : i32
      %get3A_119 = arith.index_cast %get3A_118 : i32 to index
      %get3A_120 = arith.constant 64 : index
      %get3A_121 = tpu.vector_load %arg6[%get3A_119, %get3A_120] {strides = array<i32>} : memref<1x128xf32, #tpu.memory_space<vmem>>, vector<1x16xf32>,
      %get3A_122 = vector.shape_cast %get3A_121 : vector<1x16xf32> to vector<16xf32>
      %mul3A_123 = arith.mulf %get3A_117, %get3A_122 : vector<16xf32>
      %get3A_124 = arith.constant 0 : i32
      %get3A_125 = arith.index_cast %get3A_124 : i32 to index
      %get3A_126 = arith.constant 64 : index
      %get3A_127 = tpu.vector_load %arg7[%get3A_125, %get3A_126] {strides = array<i32>} : memref<1x128xf32, #tpu.memory_space<vmem>>, vector<1x16xf32>,
      %get3A_128 = vector.shape_cast %get3A_127 : vector<1x16xf32> to vector<16xf32>
      %add3A_129 = arith.addf %mul3A_123, %get3A_128 : vector<16xf32>
      %max3A_130 = arith.constant 0.000000e+00 : f32
      %max3A_131 = vector.broadcast %max3A_130 : f32 to vector<16xf32>
      %max3A_132 = arith.maximumf %add3A_129, %max3A_131 : vector<16xf32>
      %swap3A_133 = arith.constant 0 : i32
      %swap3A_134 = arith.index_cast %swap3A_133 : i32 to index
      %swap3A_135 = arith.constant 64 : index
      %swap3A_136 = tpu.vector_load %arg8[%swap3A_134, %swap3A_135] {strides = array<i32>} : memref<8x128xf32, #tpu.memory_space<vmem>>, vector<1x16xf32>,
      %swap3A_137 = vector.shape_cast %swap3A_136 : vector<1x16xf32> to vector<16xf32>
      %swap3A_138 = vector.shape_cast %max3A_132 : vector<16xf32> to vector<1x16xf32>
      tpu.vector_store %arg8[%swap3A_134, %swap3A_135], %swap3A_138 {strides = array<i32>} : memref<8x128xf32, #tpu.memory_space<vmem>>, vector<1x16xf32>,
      %get3A_139 = arith.constant 0 : i32
      %get3A_140 = arith.index_cast %get3A_139 : i32 to index
      %get3A_141 = arith.constant 80 : index
      %get3A_142 = tpu.vector_load %arg8[%get3A_140, %get3A_141] {strides = array<i32>} : memref<8x128xf32, #tpu.memory_space<vmem>>, vector<1x16xf32>,
      %get3A_143 = vector.shape_cast %get3A_142 : vector<1x16xf32> to vector<16xf32>
      %get3A_144 = arith.constant 0 : i32
      %get3A_145 = arith.index_cast %get3A_144 : i32 to index
      %get3A_146 = arith.constant 80 : index
      %get3A_147 = tpu.vector_load %arg6[%get3A_145, %get3A_146] {strides = array<i32>} : memref<1x128xf32, #tpu.memory_space<vmem>>, vector<1x16xf32>,
      %get3A_148 = vector.shape_cast %get3A_147 : vector<1x16xf32> to vector<16xf32>
      %mul3A_149 = arith.mulf %get3A_143, %get3A_148 : vector<16xf32>
      %get3A_150 = arith.constant 0 : i32
      %get3A_151 = arith.index_cast %get3A_150 : i32 to index
      %get3A_152 = arith.constant 80 : index
      %get3A_153 = tpu.vector_load %arg7[%get3A_151, %get3A_152] {strides = array<i32>} : memref<1x128xf32, #tpu.memory_space<vmem>>, vector<1x16xf32>,
      %get3A_154 = vector.shape_cast %get3A_153 : vector<1x16xf32> to vector<16xf32>
      %add3A_155 = arith.addf %mul3A_149, %get3A_154 : vector<16xf32>
      %max3A_156 = arith.constant 0.000000e+00 : f32
      %max3A_157 = vector.broadcast %max3A_156 : f32 to vector<16xf32>
      %max3A_158 = arith.maximumf %add3A_155, %max3A_157 : vector<16xf32>
      %swap3A_159 = arith.constant 0 : i32
      %swap3A_160 = arith.index_cast %swap3A_159 : i32 to index
      %swap3A_161 = arith.constant 80 : index
      %swap3A_162 = tpu.vector_load %arg8[%swap3A_160, %swap3A_161] {strides = array<i32>} : memref<8x128xf32, #tpu.memory_space<vmem>>, vector<1x16xf32>,
      %swap3A_163 = vector.shape_cast %swap3A_162 : vector<1x16xf32> to vector<16xf32>
      %swap3A_164 = vector.shape_cast %max3A_158 : vector<16xf32> to vector<1x16xf32>
      tpu.vector_store %arg8[%swap3A_160, %swap3A_161], %swap3A_164 {strides = array<i32>} : memref<8x128xf32, #tpu.memory_space<vmem>>, vector<1x16xf32>,
      %get3A_165 = arith.constant 0 : i32
      %get3A_166 = arith.index_cast %get3A_165 : i32 to index
      %get3A_167 = arith.constant 96 : index
      %get3A_168 = tpu.vector_load %arg8[%get3A_166, %get3A_167] {strides = array<i32>} : memref<8x128xf32, #tpu.memory_space<vmem>>, vector<1x16xf32>,
      %get3A_169 = vector.shape_cast %get3A_168 : vector<1x16xf32> to vector<16xf32>
      %get3A_170 = arith.constant 0 : i32
      %get3A_171 = arith.index_cast %get3A_170 : i32 to index
      %get3A_172 = arith.constant 96 : index
      %get3A_173 = tpu.vector_load %arg6[%get3A_171, %get3A_172] {strides = array<i32>} : memref<1x128xf32, #tpu.memory_space<vmem>>, vector<1x16xf32>,
      %get3A_174 = vector.shape_cast %get3A_173 : vector<1x16xf32> to vector<16xf32>
      %mul3A_175 = arith.mulf %get3A_169, %get3A_174 : vector<16xf32>
      %get3A_176 = arith.constant 0 : i32
      %get3A_177 = arith.index_cast %get3A_176 : i32 to index
      %get3A_178 = arith.constant 96 : index
      %get3A_179 = tpu.vector_load %arg7[%get3A_177, %get3A_178] {strides = array<i32>} : memref<1x128xf32, #tpu.memory_space<vmem>>, vector<1x16xf32>,
      %get3A_180 = vector.shape_cast %get3A_179 : vector<1x16xf32> to vector<16xf32>
      %add3A_181 = arith.addf %mul3A_175, %get3A_180 : vector<16xf32>
      %max3A_182 = arith.constant 0.000000e+00 : f32
      %max3A_183 = vector.broadcast %max3A_182 : f32 to vector<16xf32>
      %max3A_184 = arith.maximumf %add3A_181, %max3A_183 : vector<16xf32>
      %swap3A_185 = arith.constant 0 : i32
      %swap3A_186 = arith.index_cast %swap3A_185 : i32 to index
      %swap3A_187 = arith.constant 96 : index
      %swap3A_188 = tpu.vector_load %arg8[%swap3A_186, %swap3A_187] {strides = array<i32>} : memref<8x128xf32, #tpu.memory_space<vmem>>, vector<1x16xf32>,
      %swap3A_189 = vector.shape_cast %swap3A_188 : vector<1x16xf32> to vector<16xf32>
      %swap3A_190 = vector.shape_cast %max3A_184 : vector<16xf32> to vector<1x16xf32>
      tpu.vector_store %arg8[%swap3A_186, %swap3A_187], %swap3A_190 {strides = array<i32>} : memref<8x128xf32, #tpu.memory_space<vmem>>, vector<1x16xf32>,
      %get3A_191 = arith.constant 0 : i32
      %get3A_192 = arith.index_cast %get3A_191 : i32 to index
      %get3A_193 = arith.constant 112 : index
      %get3A_194 = tpu.vector_load %arg8[%get3A_192, %get3A_193] {strides = array<i32>} : memref<8x128xf32, #tpu.memory_space<vmem>>, vector<1x16xf32>,
      %get3A_195 = vector.shape_cast %get3A_194 : vector<1x16xf32> to vector<16xf32>
      %get3A_196 = arith.constant 0 : i32
      %get3A_197 = arith.index_cast %get3A_196 : i32 to index
      %get3A_198 = arith.constant 112 : index
      %get3A_199 = tpu.vector_load %arg6[%get3A_197, %get3A_198] {strides = array<i32>} : memref<1x128xf32, #tpu.memory_space<vmem>>, vector<1x16xf32>,
      %get3A_200 = vector.shape_cast %get3A_199 : vector<1x16xf32> to vector<16xf32>
      %mul3A_201 = arith.mulf %get3A_195, %get3A_200 : vector<16xf32>
      %get3A_202 = arith.constant 0 : i32
      %get3A_203 = arith.index_cast %get3A_202 : i32 to index
      %get3A_204 = arith.constant 112 : index
      %get3A_205 = tpu.vector_load %arg7[%get3A_203, %get3A_204] {strides = array<i32>} : memref<1x128xf32, #tpu.memory_space<vmem>>, vector<1x16xf32>,
      %get3A_206 = vector.shape_cast %get3A_205 : vector<1x16xf32> to vector<16xf32>
      %add3A_207 = arith.addf %mul3A_201, %get3A_206 : vector<16xf32>
      %max3A_208 = arith.constant 0.000000e+00 : f32
      %max3A_209 = vector.broadcast %max3A_208 : f32 to vector<16xf32>
      %max3A_210 = arith.maximumf %add3A_207, %max3A_209 : vector<16xf32>
      %swap3A_211 = arith.constant 0 : i32
      %swap3A_212 = arith.index_cast %swap3A_211 : i32 to index
      %swap3A_213 = arith.constant 112 : index
      %swap3A_214 = tpu.vector_load %arg8[%swap3A_212, %swap3A_213] {strides = array<i32>} : memref<8x128xf32, #tpu.memory_space<vmem>>, vector<1x16xf32>,
      %swap3A_215 = vector.shape_cast %swap3A_214 : vector<1x16xf32> to vector<16xf32>
      %swap3A_216 = vector.shape_cast %max3A_210 : vector<16xf32> to vector<1x16xf32>
      tpu.vector_store %arg8[%swap3A_212, %swap3A_213], %swap3A_216 {strides = array<i32>} : memref<8x128xf32, #tpu.memory_space<vmem>>, vector<1x16xf32>,
      %get3A_217 = arith.constant 1 : i32
      %get3A_218 = arith.index_cast %get3A_217 : i32 to index
      %get3A_219 = arith.constant 0 : index
      %get3A_220 = tpu.vector_load %arg8[%get3A_218, %get3A_219] {strides = array<i32>} : memref<8x128xf32, #tpu.memory_space<vmem>>, vector<1x16xf32>,
      %get3A_221 = vector.shape_cast %get3A_220 : vector<1x16xf32> to vector<16xf32>
      %get3A_222 = arith.constant 0 : i32
      %get3A_223 = arith.index_cast %get3A_222 : i32 to index
      %get3A_224 = arith.constant 0 : index
      %get3A_225 = tpu.vector_load %arg6[%get3A_223, %get3A_224] {strides = array<i32>} : memref<1x128xf32, #tpu.memory_space<vmem>>, vector<1x16xf32>,
      %get3A_226 = vector.shape_cast %get3A_225 : vector<1x16xf32> to vector<16xf32>
      %mul3A_227 = arith.mulf %get3A_221, %get3A_226 : vector<16xf32>
      %get3A_228 = arith.constant 0 : i32
      %get3A_229 = arith.index_cast %get3A_228 : i32 to index
      %get3A_230 = arith.constant 0 : index
      %get3A_231 = tpu.vector_load %arg7[%get3A_229, %get3A_230] {strides = array<i32>} : memref<1x128xf32, #tpu.memory_space<vmem>>, vector<1x16xf32>,
      %get3A_232 = vector.shape_cast %get3A_231 : vector<1x16xf32> to vector<16xf32>
      %add3A_233 = arith.addf %mul3A_227, %get3A_232 : vector<16xf32>
      %max3A_234 = arith.constant 0.000000e+00 : f32
      %max3A_235 = vector.broadcast %max3A_234 : f32 to vector<16xf32>
      %max3A_236 = arith.maximumf %add3A_233, %max3A_235 : vector<16xf32>
      %swap3A_237 = arith.constant 1 : i32
      %swap3A_238 = arith.index_cast %swap3A_237 : i32 to index
      %swap3A_239 = arith.constant 0 : index
      %swap3A_240 = tpu.vector_load %arg8[%swap3A_238, %swap3A_239] {strides = array<i32>} : memref<8x128xf32, #tpu.memory_space<vmem>>, vector<1x16xf32>,
      %swap3A_241 = vector.shape_cast %swap3A_240 : vector<1x16xf32> to vector<16xf32>
      %swap3A_242 = vector.shape_cast %max3A_236 : vector<16xf32> to vector<1x16xf32>
      tpu.vector_store %arg8[%swap3A_238, %swap3A_239], %swap3A_242 {strides = array<i32>} : memref<8x128xf32, #tpu.memory_space<vmem>>, vector<1x16xf32>,
      %get3A_243 = arith.constant 1 : i32
      %get3A_244 = arith.index_cast %get3A_243 : i32 to index
      %get3A_245 = arith.constant 16 : index
      %get3A_246 = tpu.vector_load %arg8[%get3A_244, %get3A_245] {strides = array<i32>} : memref<8x128xf32, #tpu.memory_space<vmem>>, vector<1x16xf32>,
      %get3A_247 = vector.shape_cast %get3A_246 : vector<1x16xf32> to vector<16xf32>
      %get3A_248 = arith.constant 0 : i32
      %get3A_249 = arith.index_cast %get3A_248 : i32 to index
      %get3A_250 = arith.constant 16 : index
      %get3A_251 = tpu.vector_load %arg6[%get3A_249, %get3A_250] {strides = array<i32>} : memref<1x128xf32, #tpu.memory_space<vmem>>, vector<1x16xf32>,
      %get3A_252 = vector.shape_cast %get3A_251 : vector<1x16xf32> to vector<16xf32>
      %mul3A_253 = arith.mulf %get3A_247, %get3A_252 : vector<16xf32>
      %get3A_254 = arith.constant 0 : i32
      %get3A_255 = arith.index_cast %get3A_254 : i32 to index
      %get3A_256 = arith.constant 16 : index
      %get3A_257 = tpu.vector_load %arg7[%get3A_255, %get3A_256] {strides = array<i32>} : memref<1x128xf32, #tpu.memory_space<vmem>>, vector<1x16xf32>,
      %get3A_258 = vector.shape_cast %get3A_257 : vector<1x16xf32> to vector<16xf32>
      %add3A_259 = arith.addf %mul3A_253, %get3A_258 : vector<16xf32>
      %max3A_260 = arith.constant 0.000000e+00 : f32
      %max3A_261 = vector.broadcast %max3A_260 : f32 to vector<16xf32>
      %max3A_262 = arith.maximumf %add3A_259, %max3A_261 : vector<16xf32>
      %swap3A_263 = arith.constant 1 : i32
      %swap3A_264 = arith.index_cast %swap3A_263 : i32 to index
      %swap3A_265 = arith.constant 16 : index
      %swap3A_266 = tpu.vector_load %arg8[%swap3A_264, %swap3A_265] {strides = array<i32>} : memref<8x128xf32, #tpu.memory_space<vmem>>, vector<1x16xf32>,
      %swap3A_267 = vector.shape_cast %swap3A_266 : vector<1x16xf32> to vector<16xf32>
      %swap3A_268 = vector.shape_cast %max3A_262 : vector<16xf32> to vector<1x16xf32>
      tpu.vector_store %arg8[%swap3A_264, %swap3A_265], %swap3A_268 {strides = array<i32>} : memref<8x128xf32, #tpu.memory_space<vmem>>, vector<1x16xf32>,
      %get3A_269 = arith.constant 1 : i32
      %get3A_270 = arith.index_cast %get3A_269 : i32 to index
      %get3A_271 = arith.constant 32 : index
      %get3A_272 = tpu.vector_load %arg8[%get3A_270, %get3A_271] {strides = array<i32>} : memref<8x128xf32, #tpu.memory_space<vmem>>, vector<1x16xf32>,
      %get3A_273 = vector.shape_cast %get3A_272 : vector<1x16xf32> to vector<16xf32>
      %get3A_274 = arith.constant 0 : i32
      %get3A_275 = arith.index_cast %get3A_274 : i32 to index
      %get3A_276 = arith.constant 32 : index
      %get3A_277 = tpu.vector_load %arg6[%get3A_275, %get3A_276] {strides = array<i32>} : memref<1x128xf32, #tpu.memory_space<vmem>>, vector<1x16xf32>,
      %get3A_278 = vector.shape_cast %get3A_277 : vector<1x16xf32> to vector<16xf32>
      %mul3A_279 = arith.mulf %get3A_273, %get3A_278 : vector<16xf32>
      %get3A_280 = arith.constant 0 : i32
      %get3A_281 = arith.index_cast %get3A_280 : i32 to index
      %get3A_282 = arith.constant 32 : index
      %get3A_283 = tpu.vector_load %arg7[%get3A_281, %get3A_282] {strides = array<i32>} : memref<1x128xf32, #tpu.memory_space<vmem>>, vector<1x16xf32>,
      %get3A_284 = vector.shape_cast %get3A_283 : vector<1x16xf32> to vector<16xf32>
      %add3A_285 = arith.addf %mul3A_279, %get3A_284 : vector<16xf32>
      %max3A_286 = arith.constant 0.000000e+00 : f32
      %max3A_287 = vector.broadcast %max3A_286 : f32 to vector<16xf32>
      %max3A_288 = arith.maximumf %add3A_285, %max3A_287 : vector<16xf32>
      %swap3A_289 = arith.constant 1 : i32
      %swap3A_290 = arith.index_cast %swap3A_289 : i32 to index
      %swap3A_291 = arith.constant 32 : index
      %swap3A_292 = tpu.vector_load %arg8[%swap3A_290, %swap3A_291] {strides = array<i32>} : memref<8x128xf32, #tpu.memory_space<vmem>>, vector<1x16xf32>,
      %swap3A_293 = vector.shape_cast %swap3A_292 : vector<1x16xf32> to vector<16xf32>
      %swap3A_294 = vector.shape_cast %max3A_288 : vector<16xf32> to vector<1x16xf32>
      tpu.vector_store %arg8[%swap3A_290, %swap3A_291], %swap3A_294 {strides = array<i32>} : memref<8x128xf32, #tpu.memory_space<vmem>>, vector<1x16xf32>,
      %get3A_295 = arith.constant 1 : i32
      %get3A_296 = arith.index_cast %get3A_295 : i32 to index
      %get3A_297 = arith.constant 48 : index
      %get3A_298 = tpu.vector_load %arg8[%get3A_296, %get3A_297] {strides = array<i32>} : memref<8x128xf32, #tpu.memory_space<vmem>>, vector<1x16xf32>,
      %get3A_299 = vector.shape_cast %get3A_298 : vector<1x16xf32> to vector<16xf32>
      %get3A_300 = arith.constant 0 : i32
      %get3A_301 = arith.index_cast %get3A_300 : i32 to index
      %get3A_302 = arith.constant 48 : index
      %get3A_303 = tpu.vector_load %arg6[%get3A_301, %get3A_302] {strides = array<i32>} : memref<1x128xf32, #tpu.memory_space<vmem>>, vector<1x16xf32>,
      %get3A_304 = vector.shape_cast %get3A_303 : vector<1x16xf32> to vector<16xf32>
      %mul3A_305 = arith.mulf %get3A_299, %get3A_304 : vector<16xf32>
      %get3A_306 = arith.constant 0 : i32
      %get3A_307 = arith.index_cast %get3A_306 : i32 to index
      %get3A_308 = arith.constant 48 : index
      %get3A_309 = tpu.vector_load %arg7[%get3A_307, %get3A_308] {strides = array<i32>} : memref<1x128xf32, #tpu.memory_space<vmem>>, vector<1x16xf32>,
      %get3A_310 = vector.shape_cast %get3A_309 : vector<1x16xf32> to vector<16xf32>
      %add3A_311 = arith.addf %mul3A_305, %get3A_310 : vector<16xf32>
      %max3A_312 = arith.constant 0.000000e+00 : f32
      %max3A_313 = vector.broadcast %max3A_312 : f32 to vector<16xf32>
      %max3A_314 = arith.maximumf %add3A_311, %max3A_313 : vector<16xf32>
      %swap3A_315 = arith.constant 1 : i32
      %swap3A_316 = arith.index_cast %swap3A_315 : i32 to index
      %swap3A_317 = arith.constant 48 : index
      %swap3A_318 = tpu.vector_load %arg8[%swap3A_316, %swap3A_317] {strides = array<i32>} : memref<8x128xf32, #tpu.memory_space<vmem>>, vector<1x16xf32>,
      %swap3A_319 = vector.shape_cast %swap3A_318 : vector<1x16xf32> to vector<16xf32>
      %swap3A_320 = vector.shape_cast %max3A_314 : vector<16xf32> to vector<1x16xf32>
      tpu.vector_store %arg8[%swap3A_316, %swap3A_317], %swap3A_320 {strides = array<i32>} : memref<8x128xf32, #tpu.memory_space<vmem>>, vector<1x16xf32>,
      %get3A_321 = arith.constant 1 : i32
      %get3A_322 = arith.index_cast %get3A_321 : i32 to index
      %get3A_323 = arith.constant 64 : index
      %get3A_324 = tpu.vector_load %arg8[%get3A_322, %get3A_323] {strides = array<i32>} : memref<8x128xf32, #tpu.memory_space<vmem>>, vector<1x16xf32>,
      %get3A_325 = vector.shape_cast %get3A_324 : vector<1x16xf32> to vector<16xf32>
      %get3A_326 = arith.constant 0 : i32
      %get3A_327 = arith.index_cast %get3A_326 : i32 to index
      %get3A_328 = arith.constant 64 : index
      %get3A_329 = tpu.vector_load %arg6[%get3A_327, %get3A_328] {strides = array<i32>} : memref<1x128xf32, #tpu.memory_space<vmem>>, vector<1x16xf32>,
      %get3A_330 = vector.shape_cast %get3A_329 : vector<1x16xf32> to vector<16xf32>
      %mul3A_331 = arith.mulf %get3A_325, %get3A_330 : vector<16xf32>
      %get3A_332 = arith.constant 0 : i32
      %get3A_333 = arith.index_cast %get3A_332 : i32 to index
      %get3A_334 = arith.constant 64 : index
      %get3A_335 = tpu.vector_load %arg7[%get3A_333, %get3A_334] {strides = array<i32>} : memref<1x128xf32, #tpu.memory_space<vmem>>, vector<1x16xf32>,
      %get3A_336 = vector.shape_cast %get3A_335 : vector<1x16xf32> to vector<16xf32>
      %add3A_337 = arith.addf %mul3A_331, %get3A_336 : vector<16xf32>
      %max3A_338 = arith.constant 0.000000e+00 : f32
      %max3A_339 = vector.broadcast %max3A_338 : f32 to vector<16xf32>
      %max3A_340 = arith.maximumf %add3A_337, %max3A_339 : vector<16xf32>
      %swap3A_341 = arith.constant 1 : i32
      %swap3A_342 = arith.index_cast %swap3A_341 : i32 to index
      %swap3A_343 = arith.constant 64 : index
      %swap3A_344 = tpu.vector_load %arg8[%swap3A_342, %swap3A_343] {strides = array<i32>} : memref<8x128xf32, #tpu.memory_space<vmem>>, vector<1x16xf32>,
      %swap3A_345 = vector.shape_cast %swap3A_344 : vector<1x16xf32> to vector<16xf32>
      %swap3A_346 = vector.shape_cast %max3A_340 : vector<16xf32> to vector<1x16xf32>
      tpu.vector_store %arg8[%swap3A_342, %swap3A_343], %swap3A_346 {strides = array<i32>} : memref<8x128xf32, #tpu.memory_space<vmem>>, vector<1x16xf32>,
      %get3A_347 = arith.constant 1 : i32
      %get3A_348 = arith.index_cast %get3A_347 : i32 to index
      %get3A_349 = arith.constant 80 : index
      %get3A_350 = tpu.vector_load %arg8[%get3A_348, %get3A_349] {strides = array<i32>} : memref<8x128xf32, #tpu.memory_space<vmem>>, vector<1x16xf32>,
      %get3A_351 = vector.shape_cast %get3A_350 : vector<1x16xf32> to vector<16xf32>
      %get3A_352 = arith.constant 0 : i32
      %get3A_353 = arith.index_cast %get3A_352 : i32 to index
      %get3A_354 = arith.constant 80 : index
      %get3A_355 = tpu.vector_load %arg6[%get3A_353, %get3A_354] {strides = array<i32>} : memref<1x128xf32, #tpu.memory_space<vmem>>, vector<1x16xf32>,
      %get3A_356 = vector.shape_cast %get3A_355 : vector<1x16xf32> to vector<16xf32>
      %mul3A_357 = arith.mulf %get3A_351, %get3A_356 : vector<16xf32>
      %get3A_358 = arith.constant 0 : i32
      %get3A_359 = arith.index_cast %get3A_358 : i32 to index
      %get3A_360 = arith.constant 80 : index
      %get3A_361 = tpu.vector_load %arg7[%get3A_359, %get3A_360] {strides = array<i32>} : memref<1x128xf32, #tpu.memory_space<vmem>>, vector<1x16xf32>,
      %get3A_362 = vector.shape_cast %get3A_361 : vector<1x16xf32> to vector<16xf32>
      %add3A_363 = arith.addf %mul3A_357, %get3A_362 : vector<16xf32>
      %max3A_364 = arith.constant 0.000000e+00 : f32
      %max3A_365 = vector.broadcast %max3A_364 : f32 to vector<16xf32>
      %max3A_366 = arith.maximumf %add3A_363, %max3A_365 : vector<16xf32>
      %swap3A_367 = arith.constant 1 : i32
      %swap3A_368 = arith.index_cast %swap3A_367 : i32 to index
      %swap3A_369 = arith.constant 80 : index
      %swap3A_370 = tpu.vector_load %arg8[%swap3A_368, %swap3A_369] {strides = array<i32>} : memref<8x128xf32, #tpu.memory_space<vmem>>, vector<1x16xf32>,
      %swap3A_371 = vector.shape_cast %swap3A_370 : vector<1x16xf32> to vector<16xf32>
      %swap3A_372 = vector.shape_cast %max3A_366 : vector<16xf32> to vector<1x16xf32>
      tpu.vector_store %arg8[%swap3A_368, %swap3A_369], %swap3A_372 {strides = array<i32>} : memref<8x128xf32, #tpu.memory_space<vmem>>, vector<1x16xf32>,
      %get3A_373 = arith.constant 1 : i32
      %get3A_374 = arith.index_cast %get3A_373 : i32 to index
      %get3A_375 = arith.constant 96 : index
      %get3A_376 = tpu.vector_load %arg8[%get3A_374, %get3A_375] {strides = array<i32>} : memref<8x128xf32, #tpu.memory_space<vmem>>, vector<1x16xf32>,
      %get3A_377 = vector.shape_cast %get3A_376 : vector<1x16xf32> to vector<16xf32>
      %get3A_378 = arith.constant 0 : i32
      %get3A_379 = arith.index_cast %get3A_378 : i32 to index
      %get3A_380 = arith.constant 96 : index
      %get3A_381 = tpu.vector_load %arg6[%get3A_379, %get3A_380] {strides = array<i32>} : memref<1x128xf32, #tpu.memory_space<vmem>>, vector<1x16xf32>,
      %get3A_382 = vector.shape_cast %get3A_381 : vector<1x16xf32> to vector<16xf32>
      %mul3A_383 = arith.mulf %get3A_377, %get3A_382 : vector<16xf32>
      %get3A_384 = arith.constant 0 : i32
      %get3A_385 = arith.index_cast %get3A_384 : i32 to index
      %get3A_386 = arith.constant 96 : index
      %get3A_387 = tpu.vector_load %arg7[%get3A_385, %get3A_386] {strides = array<i32>} : memref<1x128xf32, #tpu.memory_space<vmem>>, vector<1x16xf32>,
      %get3A_388 = vector.shape_cast %get3A_387 : vector<1x16xf32> to vector<16xf32>
      %add3A_389 = arith.addf %mul3A_383, %get3A_388 : vector<16xf32>
      %max3A_390 = arith.constant 0.000000e+00 : f32
      %max3A_391 = vector.broadcast %max3A_390 : f32 to vector<16xf32>
      %max3A_392 = arith.maximumf %add3A_389, %max3A_391 : vector<16xf32>
      %swap3A_393 = arith.constant 1 : i32
      %swap3A_394 = arith.index_cast %swap3A_393 : i32 to index
      %swap3A_395 = arith.constant 96 : index
      %swap3A_396 = tpu.vector_load %arg8[%swap3A_394, %swap3A_395] {strides = array<i32>} : memref<8x128xf32, #tpu.memory_space<vmem>>, vector<1x16xf32>,
      %swap3A_397 = vector.shape_cast %swap3A_396 : vector<1x16xf32> to vector<16xf32>
      %swap3A_398 = vector.shape_cast %max3A_392 : vector<16xf32> to vector<1x16xf32>
      tpu.vector_store %arg8[%swap3A_394, %swap3A_395], %swap3A_398 {strides = array<i32>} : memref<8x128xf32, #tpu.memory_space<vmem>>, vector<1x16xf32>,
      %get3A_399 = arith.constant 1 : i32
      %get3A_400 = arith.index_cast %get3A_399 : i32 to index
      %get3A_401 = arith.constant 112 : index
      %get3A_402 = tpu.vector_load %arg8[%get3A_400, %get3A_401] {strides = array<i32>} : memref<8x128xf32, #tpu.memory_space<vmem>>, vector<1x16xf32>,
      %get3A_403 = vector.shape_cast %get3A_402 : vector<1x16xf32> to vector<16xf32>
      %get3A_404 = arith.constant 0 : i32
      %get3A_405 = arith.index_cast %get3A_404 : i32 to index
      %get3A_406 = arith.constant 112 : index
      %get3A_407 = tpu.vector_load %arg6[%get3A_405, %get3A_406] {strides = array<i32>} : memref<1x128xf32, #tpu.memory_space<vmem>>, vector<1x16xf32>,
      %get3A_408 = vector.shape_cast %get3A_407 : vector<1x16xf32> to vector<16xf32>
      %mul3A_409 = arith.mulf %get3A_403, %get3A_408 : vector<16xf32>
      %get3A_410 = arith.constant 0 : i32
      %get3A_411 = arith.index_cast %get3A_410 : i32 to index
      %get3A_412 = arith.constant 112 : index
      %get3A_413 = tpu.vector_load %arg7[%get3A_411, %get3A_412] {strides = array<i32>} : memref<1x128xf32, #tpu.memory_space<vmem>>, vector<1x16xf32>,
      %get3A_414 = vector.shape_cast %get3A_413 : vector<1x16xf32> to vector<16xf32>
      %add3A_415 = arith.addf %mul3A_409, %get3A_414 : vector<16xf32>
      %max3A_416 = arith.constant 0.000000e+00 : f32
      %max3A_417 = vector.broadcast %max3A_416 : f32 to vector<16xf32>
      %max3A_418 = arith.maximumf %add3A_415, %max3A_417 : vector<16xf32>
      %swap3A_419 = arith.constant 1 : i32
      %swap3A_420 = arith.index_cast %swap3A_419 : i32 to index
      %swap3A_421 = arith.constant 112 : index
      %swap3A_422 = tpu.vector_load %arg8[%swap3A_420, %swap3A_421] {strides = array<i32>} : memref<8x128xf32, #tpu.memory_space<vmem>>, vector<1x16xf32>,
      %swap3A_423 = vector.shape_cast %swap3A_422 : vector<1x16xf32> to vector<16xf32>
      %swap3A_424 = vector.shape_cast %max3A_418 : vector<16xf32> to vector<1x16xf32>
      tpu.vector_store %arg8[%swap3A_420, %swap3A_421], %swap3A_424 {strides = array<i32>} : memref<8x128xf32, #tpu.memory_space<vmem>>, vector<1x16xf32>,
      %get3A_425 = arith.constant 2 : i32
      %get3A_426 = arith.index_cast %get3A_425 : i32 to index
      %get3A_427 = arith.constant 0 : index
      %get3A_428 = tpu.vector_load %arg8[%get3A_426, %get3A_427] {strides = array<i32>} : memref<8x128xf32, #tpu.memory_space<vmem>>, vector<1x16xf32>,
      %get3A_429 = vector.shape_cast %get3A_428 : vector<1x16xf32> to vector<16xf32>
      %get3A_430 = arith.constant 0 : i32
      %get3A_431 = arith.index_cast %get3A_430 : i32 to index
      %get3A_432 = arith.constant 0 : index
      %get3A_433 = tpu.vector_load %arg6[%get3A_431, %get3A_432] {strides = array<i32>} : memref<1x128xf32, #tpu.memory_space<vmem>>, vector<1x16xf32>,
      %get3A_434 = vector.shape_cast %get3A_433 : vector<1x16xf32> to vector<16xf32>
      %mul3A_435 = arith.mulf %get3A_429, %get3A_434 : vector<16xf32>
      %get3A_436 = arith.constant 0 : i32
      %get3A_437 = arith.index_cast %get3A_436 : i32 to index
      %get3A_438 = arith.constant 0 : index
      %get3A_439 = tpu.vector_load %arg7[%get3A_437, %get3A_438] {strides = array<i32>} : memref<1x128xf32, #tpu.memory_space<vmem>>, vector<1x16xf32>,
      %get3A_440 = vector.shape_cast %get3A_439 : vector<1x16xf32> to vector<16xf32>
      %add3A_441 = arith.addf %mul3A_435, %get3A_440 : vector<16xf32>
      %max3A_442 = arith.constant 0.000000e+00 : f32
      %max3A_443 = vector.broadcast %max3A_442 : f32 to vector<16xf32>
      %max3A_444 = arith.maximumf %add3A_441, %max3A_443 : vector<16xf32>
      %swap3A_445 = arith.constant 2 : i32
      %swap3A_446 = arith.index_cast %swap3A_445 : i32 to index
      %swap3A_447 = arith.constant 0 : index
      %swap3A_448 = tpu.vector_load %arg8[%swap3A_446, %swap3A_447] {strides = array<i32>} : memref<8x128xf32, #tpu.memory_space<vmem>>, vector<1x16xf32>,
      %swap3A_449 = vector.shape_cast %swap3A_448 : vector<1x16xf32> to vector<16xf32>
      %swap3A_450 = vector.shape_cast %max3A_444 : vector<16xf32> to vector<1x16xf32>
      tpu.vector_store %arg8[%swap3A_446, %swap3A_447], %swap3A_450 {strides = array<i32>} : memref<8x128xf32, #tpu.memory_space<vmem>>, vector<1x16xf32>,
      %get3A_451 = arith.constant 2 : i32
      %get3A_452 = arith.index_cast %get3A_451 : i32 to index
      %get3A_453 = arith.constant 16 : index
      %get3A_454 = tpu.vector_load %arg8[%get3A_452, %get3A_453] {strides = array<i32>} : memref<8x128xf32, #tpu.memory_space<vmem>>, vector<1x16xf32>,
      %get3A_455 = vector.shape_cast %get3A_454 : vector<1x16xf32> to vector<16xf32>
      %get3A_456 = arith.constant 0 : i32
      %get3A_457 = arith.index_cast %get3A_456 : i32 to index
      %get3A_458 = arith.constant 16 : index
      %get3A_459 = tpu.vector_load %arg6[%get3A_457, %get3A_458] {strides = array<i32>} : memref<1x128xf32, #tpu.memory_space<vmem>>, vector<1x16xf32>,
      %get3A_460 = vector.shape_cast %get3A_459 : vector<1x16xf32> to vector<16xf32>
      %mul3A_461 = arith.mulf %get3A_455, %get3A_460 : vector<16xf32>
      %get3A_462 = arith.constant 0 : i32
      %get3A_463 = arith.index_cast %get3A_462 : i32 to index
      %get3A_464 = arith.constant 16 : index
      %get3A_465 = tpu.vector_load %arg7[%get3A_463, %get3A_464] {strides = array<i32>} : memref<1x128xf32, #tpu.memory_space<vmem>>, vector<1x16xf32>,
      %get3A_466 = vector.shape_cast %get3A_465 : vector<1x16xf32> to vector<16xf32>
      %add3A_467 = arith.addf %mul3A_461, %get3A_466 : vector<16xf32>
      %max3A_468 = arith.constant 0.000000e+00 : f32
      %max3A_469 = vector.broadcast %max3A_468 : f32 to vector<16xf32>
      %max3A_470 = arith.maximumf %add3A_467, %max3A_469 : vector<16xf32>
      %swap3A_471 = arith.constant 2 : i32
      %swap3A_472 = arith.index_cast %swap3A_471 : i32 to index
      %swap3A_473 = arith.constant 16 : index
      %swap3A_474 = tpu.vector_load %arg8[%swap3A_472, %swap3A_473] {strides = array<i32>} : memref<8x128xf32, #tpu.memory_space<vmem>>, vector<1x16xf32>,
      %swap3A_475 = vector.shape_cast %swap3A_474 : vector<1x16xf32> to vector<16xf32>
      %swap3A_476 = vector.shape_cast %max3A_470 : vector<16xf32> to vector<1x16xf32>
      tpu.vector_store %arg8[%swap3A_472, %swap3A_473], %swap3A_476 {strides = array<i32>} : memref<8x128xf32, #tpu.memory_space<vmem>>, vector<1x16xf32>,
      %get3A_477 = arith.constant 2 : i32
      %get3A_478 = arith.index_cast %get3A_477 : i32 to index
      %get3A_479 = arith.constant 32 : index
      %get3A_480 = tpu.vector_load %arg8[%get3A_478, %get3A_479] {strides = array<i32>} : memref<8x128xf32, #tpu.memory_space<vmem>>, vector<1x16xf32>,
      %get3A_481 = vector.shape_cast %get3A_480 : vector<1x16xf32> to vector<16xf32>
      %get3A_482 = arith.constant 0 : i32
      %get3A_483 = arith.index_cast %get3A_482 : i32 to index
      %get3A_484 = arith.constant 32 : index
      %get3A_485 = tpu.vector_load %arg6[%get3A_483, %get3A_484] {strides = array<i32>} : memref<1x128xf32, #tpu.memory_space<vmem>>, vector<1x16xf32>,
      %get3A_486 = vector.shape_cast %get3A_485 : vector<1x16xf32> to vector<16xf32>
      %mul3A_487 = arith.mulf %get3A_481, %get3A_486 : vector<16xf32>
      %get3A_488 = arith.constant 0 : i32
      %get3A_489 = arith.index_cast %get3A_488 : i32 to index
      %get3A_490 = arith.constant 32 : index
      %get3A_491 = tpu.vector_load %arg7[%get3A_489, %get3A_490] {strides = array<i32>} : memref<1x128xf32, #tpu.memory_space<vmem>>, vector<1x16xf32>,
      %get3A_492 = vector.shape_cast %get3A_491 : vector<1x16xf32> to vector<16xf32>
      %add3A_493 = arith.addf %mul3A_487, %get3A_492 : vector<16xf32>
      %max3A_494 = arith.constant 0.000000e+00 : f32
      %max3A_495 = vector.broadcast %max3A_494 : f32 to vector<16xf32>
      %max3A_496 = arith.maximumf %add3A_493, %max3A_495 : vector<16xf32>
      %swap3A_497 = arith.constant 2 : i32
      %swap3A_498 = arith.index_cast %swap3A_497 : i32 to index
      %swap3A_499 = arith.constant 32 : index
      %swap3A_500 = tpu.vector_load %arg8[%swap3A_498, %swap3A_499] {strides = array<i32>} : memref<8x128xf32, #tpu.memory_space<vmem>>, vector<1x16xf32>,
      %swap3A_501 = vector.shape_cast %swap3A_500 : vector<1x16xf32> to vector<16xf32>
      %swap3A_502 = vector.shape_cast %max3A_496 : vector<16xf32> to vector<1x16xf32>
      tpu.vector_store %arg8[%swap3A_498, %swap3A_499], %swap3A_502 {strides = array<i32>} : memref<8x128xf32, #tpu.memory_space<vmem>>, vector<1x16xf32>,
      %get3A_503 = arith.constant 2 : i32
      %get3A_504 = arith.index_cast %get3A_503 : i32 to index
      %get3A_505 = arith.constant 48 : index
      %get3A_506 = tpu.vector_load %arg8[%get3A_504, %get3A_505] {strides = array<i32>} : memref<8x128xf32, #tpu.memory_space<vmem>>, vector<1x16xf32>,
      %get3A_507 = vector.shape_cast %get3A_506 : vector<1x16xf32> to vector<16xf32>
      %get3A_508 = arith.constant 0 : i32
      %get3A_509 = arith.index_cast %get3A_508 : i32 to index
      %get3A_510 = arith.constant 48 : index
      %get3A_511 = tpu.vector_load %arg6[%get3A_509, %get3A_510] {strides = array<i32>} : memref<1x128xf32, #tpu.memory_space<vmem>>, vector<1x16xf32>,
      %get3A_512 = vector.shape_cast %get3A_511 : vector<1x16xf32> to vector<16xf32>
      %mul3A_513 = arith.mulf %get3A_507, %get3A_512 : vector<16xf32>
      %get3A_514 = arith.constant 0 : i32
      %get3A_515 = arith.index_cast %get3A_514 : i32 to index
      %get3A_516 = arith.constant 48 : index
      %get3A_517 = tpu.vector_load %arg7[%get3A_515, %get3A_516] {strides = array<i32>} : memref<1x128xf32, #tpu.memory_space<vmem>>, vector<1x16xf32>,
      %get3A_518 = vector.shape_cast %get3A_517 : vector<1x16xf32> to vector<16xf32>
      %add3A_519 = arith.addf %mul3A_513, %get3A_518 : vector<16xf32>
      %max3A_520 = arith.constant 0.000000e+00 : f32
      %max3A_521 = vector.broadcast %max3A_520 : f32 to vector<16xf32>
      %max3A_522 = arith.maximumf %add3A_519, %max3A_521 : vector<16xf32>
      %swap3A_523 = arith.constant 2 : i32
      %swap3A_524 = arith.index_cast %swap3A_523 : i32 to index
      %swap3A_525 = arith.constant 48 : index
      %swap3A_526 = tpu.vector_load %arg8[%swap3A_524, %swap3A_525] {strides = array<i32>} : memref<8x128xf32, #tpu.memory_space<vmem>>, vector<1x16xf32>,
      %swap3A_527 = vector.shape_cast %swap3A_526 : vector<1x16xf32> to vector<16xf32>
      %swap3A_528 = vector.shape_cast %max3A_522 : vector<16xf32> to vector<1x16xf32>
      tpu.vector_store %arg8[%swap3A_524, %swap3A_525], %swap3A_528 {strides = array<i32>} : memref<8x128xf32, #tpu.memory_space<vmem>>, vector<1x16xf32>,
      %get3A_529 = arith.constant 2 : i32
      %get3A_530 = arith.index_cast %get3A_529 : i32 to index
      %get3A_531 = arith.constant 64 : index
      %get3A_532 = tpu.vector_load %arg8[%get3A_530, %get3A_531] {strides = array<i32>} : memref<8x128xf32, #tpu.memory_space<vmem>>, vector<1x16xf32>,
      %get3A_533 = vector.shape_cast %get3A_532 : vector<1x16xf32> to vector<16xf32>
      %get3A_534 = arith.constant 0 : i32
      %get3A_535 = arith.index_cast %get3A_534 : i32 to index
      %get3A_536 = arith.constant 64 : index
      %get3A_537 = tpu.vector_load %arg6[%get3A_535, %get3A_536] {strides = array<i32>} : memref<1x128xf32, #tpu.memory_space<vmem>>, vector<1x16xf32>,
      %get3A_538 = vector.shape_cast %get3A_537 : vector<1x16xf32> to vector<16xf32>
      %mul3A_539 = arith.mulf %get3A_533, %get3A_538 : vector<16xf32>
      %get3A_540 = arith.constant 0 : i32
      %get3A_541 = arith.index_cast %get3A_540 : i32 to index
      %get3A_542 = arith.constant 64 : index
      %get3A_543 = tpu.vector_load %arg7[%get3A_541, %get3A_542] {strides = array<i32>} : memref<1x128xf32, #tpu.memory_space<vmem>>, vector<1x16xf32>,
      %get3A_544 = vector.shape_cast %get3A_543 : vector<1x16xf32> to vector<16xf32>
      %add3A_545 = arith.addf %mul3A_539, %get3A_544 : vector<16xf32>
      %max3A_546 = arith.constant 0.000000e+00 : f32
      %max3A_547 = vector.broadcast %max3A_546 : f32 to vector<16xf32>
      %max3A_548 = arith.maximumf %add3A_545, %max3A_547 : vector<16xf32>
      %swap3A_549 = arith.constant 2 : i32
      %swap3A_550 = arith.index_cast %swap3A_549 : i32 to index
      %swap3A_551 = arith.constant 64 : index
      %swap3A_552 = tpu.vector_load %arg8[%swap3A_550, %swap3A_551] {strides = array<i32>} : memref<8x128xf32, #tpu.memory_space<vmem>>, vector<1x16xf32>,
      %swap3A_553 = vector.shape_cast %swap3A_552 : vector<1x16xf32> to vector<16xf32>
      %swap3A_554 = vector.shape_cast %max3A_548 : vector<16xf32> to vector<1x16xf32>
      tpu.vector_store %arg8[%swap3A_550, %swap3A_551], %swap3A_554 {strides = array<i32>} : memref<8x128xf32, #tpu.memory_space<vmem>>, vector<1x16xf32>,
      %get3A_555 = arith.constant 2 : i32
      %get3A_556 = arith.index_cast %get3A_555 : i32 to index
      %get3A_557 = arith.constant 80 : index
      %get3A_558 = tpu.vector_load %arg8[%get3A_556, %get3A_557] {strides = array<i32>} : memref<8x128xf32, #tpu.memory_space<vmem>>, vector<1x16xf32>,
      %get3A_559 = vector.shape_cast %get3A_558 : vector<1x16xf32> to vector<16xf32>
      %get3A_560 = arith.constant 0 : i32
      %get3A_561 = arith.index_cast %get3A_560 : i32 to index
      %get3A_562 = arith.constant 80 : index
      %get3A_563 = tpu.vector_load %arg6[%get3A_561, %get3A_562] {strides = array<i32>} : memref<1x128xf32, #tpu.memory_space<vmem>>, vector<1x16xf32>,
      %get3A_564 = vector.shape_cast %get3A_563 : vector<1x16xf32> to vector<16xf32>
      %mul3A_565 = arith.mulf %get3A_559, %get3A_564 : vector<16xf32>
      %get3A_566 = arith.constant 0 : i32
      %get3A_567 = arith.index_cast %get3A_566 : i32 to index
      %get3A_568 = arith.constant 80 : index
      %get3A_569 = tpu.vector_load %arg7[%get3A_567, %get3A_568] {strides = array<i32>} : memref<1x128xf32, #tpu.memory_space<vmem>>, vector<1x16xf32>,
      %get3A_570 = vector.shape_cast %get3A_569 : vector<1x16xf32> to vector<16xf32>
      %add3A_571 = arith.addf %mul3A_565, %get3A_570 : vector<16xf32>
      %max3A_572 = arith.constant 0.000000e+00 : f32
      %max3A_573 = vector.broadcast %max3A_572 : f32 to vector<16xf32>
      %max3A_574 = arith.maximumf %add3A_571, %max3A_573 : vector<16xf32>
      %swap3A_575 = arith.constant 2 : i32
      %swap3A_576 = arith.index_cast %swap3A_575 : i32 to index
      %swap3A_577 = arith.constant 80 : index
      %swap3A_578 = tpu.vector_load %arg8[%swap3A_576, %swap3A_577] {strides = array<i32>} : memref<8x128xf32, #tpu.memory_space<vmem>>, vector<1x16xf32>,
      %swap3A_579 = vector.shape_cast %swap3A_578 : vector<1x16xf32> to vector<16xf32>
      %swap3A_580 = vector.shape_cast %max3A_574 : vector<16xf32> to vector<1x16xf32>
      tpu.vector_store %arg8[%swap3A_576, %swap3A_577], %swap3A_580 {strides = array<i32>} : memref<8x128xf32, #tpu.memory_space<vmem>>, vector<1x16xf32>,
      %get3A_581 = arith.constant 2 : i32
      %get3A_582 = arith.index_cast %get3A_581 : i32 to index
      %get3A_583 = arith.constant 96 : index
      %get3A_584 = tpu.vector_load %arg8[%get3A_582, %get3A_583] {strides = array<i32>} : memref<8x128xf32, #tpu.memory_space<vmem>>, vector<1x16xf32>,
      %get3A_585 = vector.shape_cast %get3A_584 : vector<1x16xf32> to vector<16xf32>
      %get3A_586 = arith.constant 0 : i32
      %get3A_587 = arith.index_cast %get3A_586 : i32 to index
      %get3A_588 = arith.constant 96 : index
      %get3A_589 = tpu.vector_load %arg6[%get3A_587, %get3A_588] {strides = array<i32>} : memref<1x128xf32, #tpu.memory_space<vmem>>, vector<1x16xf32>,
      %get3A_590 = vector.shape_cast %get3A_589 : vector<1x16xf32> to vector<16xf32>
      %mul3A_591 = arith.mulf %get3A_585, %get3A_590 : vector<16xf32>
      %get3A_592 = arith.constant 0 : i32
      %get3A_593 = arith.index_cast %get3A_592 : i32 to index
      %get3A_594 = arith.constant 96 : index
      %get3A_595 = tpu.vector_load %arg7[%get3A_593, %get3A_594] {strides = array<i32>} : memref<1x128xf32, #tpu.memory_space<vmem>>, vector<1x16xf32>,
      %get3A_596 = vector.shape_cast %get3A_595 : vector<1x16xf32> to vector<16xf32>
      %add3A_597 = arith.addf %mul3A_591, %get3A_596 : vector<16xf32>
      %max3A_598 = arith.constant 0.000000e+00 : f32
      %max3A_599 = vector.broadcast %max3A_598 : f32 to vector<16xf32>
      %max3A_600 = arith.maximumf %add3A_597, %max3A_599 : vector<16xf32>
      %swap3A_601 = arith.constant 2 : i32
      %swap3A_602 = arith.index_cast %swap3A_601 : i32 to index
      %swap3A_603 = arith.constant 96 : index
      %swap3A_604 = tpu.vector_load %arg8[%swap3A_602, %swap3A_603] {strides = array<i32>} : memref<8x128xf32, #tpu.memory_space<vmem>>, vector<1x16xf32>,
      %swap3A_605 = vector.shape_cast %swap3A_604 : vector<1x16xf32> to vector<16xf32>
      %swap3A_606 = vector.shape_cast %max3A_600 : vector<16xf32> to vector<1x16xf32>
      tpu.vector_store %arg8[%swap3A_602, %swap3A_603], %swap3A_606 {strides = array<i32>} : memref<8x128xf32, #tpu.memory_space<vmem>>, vector<1x16xf32>,
      %get3A_607 = arith.constant 2 : i32
      %get3A_608 = arith.index_cast %get3A_607 : i32 to index
      %get3A_609 = arith.constant 112 : index
      %get3A_610 = tpu.vector_load %arg8[%get3A_608, %get3A_609] {strides = array<i32>} : memref<8x128xf32, #tpu.memory_space<vmem>>, vector<1x16xf32>,
      %get3A_611 = vector.shape_cast %get3A_610 : vector<1x16xf32> to vector<16xf32>
      %get3A_612 = arith.constant 0 : i32
      %get3A_613 = arith.index_cast %get3A_612 : i32 to index
      %get3A_614 = arith.constant 112 : index
      %get3A_615 = tpu.vector_load %arg6[%get3A_613, %get3A_614] {strides = array<i32>} : memref<1x128xf32, #tpu.memory_space<vmem>>, vector<1x16xf32>,
      %get3A_616 = vector.shape_cast %get3A_615 : vector<1x16xf32> to vector<16xf32>
      %mul3A_617 = arith.mulf %get3A_611, %get3A_616 : vector<16xf32>
      %get3A_618 = arith.constant 0 : i32
      %get3A_619 = arith.index_cast %get3A_618 : i32 to index
      %get3A_620 = arith.constant 112 : index
      %get3A_621 = tpu.vector_load %arg7[%get3A_619, %get3A_620] {strides = array<i32>} : memref<1x128xf32, #tpu.memory_space<vmem>>, vector<1x16xf32>,
      %get3A_622 = vector.shape_cast %get3A_621 : vector<1x16xf32> to vector<16xf32>
      %add3A_623 = arith.addf %mul3A_617, %get3A_622 : vector<16xf32>
      %max3A_624 = arith.constant 0.000000e+00 : f32
      %max3A_625 = vector.broadcast %max3A_624 : f32 to vector<16xf32>
      %max3A_626 = arith.maximumf %add3A_623, %max3A_625 : vector<16xf32>
      %swap3A_627 = arith.constant 2 : i32
      %swap3A_628 = arith.index_cast %swap3A_627 : i32 to index
      %swap3A_629 = arith.constant 112 : index
      %swap3A_630 = tpu.vector_load %arg8[%swap3A_628, %swap3A_629] {strides = array<i32>} : memref<8x128xf32, #tpu.memory_space<vmem>>, vector<1x16xf32>,
      %swap3A_631 = vector.shape_cast %swap3A_630 : vector<1x16xf32> to vector<16xf32>
      %swap3A_632 = vector.shape_cast %max3A_626 : vector<16xf32> to vector<1x16xf32>
      tpu.vector_store %arg8[%swap3A_628, %swap3A_629], %swap3A_632 {strides = array<i32>} : memref<8x128xf32, #tpu.memory_space<vmem>>, vector<1x16xf32>,
      %get3A_633 = arith.constant 3 : i32
      %get3A_634 = arith.index_cast %get3A_633 : i32 to index
      %get3A_635 = arith.constant 0 : index
      %get3A_636 = tpu.vector_load %arg8[%get3A_634, %get3A_635] {strides = array<i32>} : memref<8x128xf32, #tpu.memory_space<vmem>>, vector<1x16xf32>,
      %get3A_637 = vector.shape_cast %get3A_636 : vector<1x16xf32> to vector<16xf32>
      %get3A_638 = arith.constant 0 : i32
      %get3A_639 = arith.index_cast %get3A_638 : i32 to index
      %get3A_640 = arith.constant 0 : index
      %get3A_641 = tpu.vector_load %arg6[%get3A_639, %get3A_640] {strides = array<i32>} : memref<1x128xf32, #tpu.memory_space<vmem>>, vector<1x16xf32>,
      %get3A_642 = vector.shape_cast %get3A_641 : vector<1x16xf32> to vector<16xf32>
      %mul3A_643 = arith.mulf %get3A_637, %get3A_642 : vector<16xf32>
      %get3A_644 = arith.constant 0 : i32
      %get3A_645 = arith.index_cast %get3A_644 : i32 to index
      %get3A_646 = arith.constant 0 : index
      %get3A_647 = tpu.vector_load %arg7[%get3A_645, %get3A_646] {strides = array<i32>} : memref<1x128xf32, #tpu.memory_space<vmem>>, vector<1x16xf32>,
      %get3A_648 = vector.shape_cast %get3A_647 : vector<1x16xf32> to vector<16xf32>
      %add3A_649 = arith.addf %mul3A_643, %get3A_648 : vector<16xf32>
      %max3A_650 = arith.constant 0.000000e+00 : f32
      %max3A_651 = vector.broadcast %max3A_650 : f32 to vector<16xf32>
      %max3A_652 = arith.maximumf %add3A_649, %max3A_651 : vector<16xf32>
      %swap3A_653 = arith.constant 3 : i32
      %swap3A_654 = arith.index_cast %swap3A_653 : i32 to index
      %swap3A_655 = arith.constant 0 : index
      %swap3A_656 = tpu.vector_load %arg8[%swap3A_654, %swap3A_655] {strides = array<i32>} : memref<8x128xf32, #tpu.memory_space<vmem>>, vector<1x16xf32>,
      %swap3A_657 = vector.shape_cast %swap3A_656 : vector<1x16xf32> to vector<16xf32>
      %swap3A_658 = vector.shape_cast %max3A_652 : vector<16xf32> to vector<1x16xf32>
      tpu.vector_store %arg8[%swap3A_654, %swap3A_655], %swap3A_658 {strides = array<i32>} : memref<8x128xf32, #tpu.memory_space<vmem>>, vector<1x16xf32>,
      %get3A_659 = arith.constant 3 : i32
      %get3A_660 = arith.index_cast %get3A_659 : i32 to index
      %get3A_661 = arith.constant 16 : index
      %get3A_662 = tpu.vector_load %arg8[%get3A_660, %get3A_661] {strides = array<i32>} : memref<8x128xf32, #tpu.memory_space<vmem>>, vector<1x16xf32>,
      %get3A_663 = vector.shape_cast %get3A_662 : vector<1x16xf32> to vector<16xf32>
      %get3A_664 = arith.constant 0 : i32
      %get3A_665 = arith.index_cast %get3A_664 : i32 to index
      %get3A_666 = arith.constant 16 : index
      %get3A_667 = tpu.vector_load %arg6[%get3A_665, %get3A_666] {strides = array<i32>} : memref<1x128xf32, #tpu.memory_space<vmem>>, vector<1x16xf32>,
      %get3A_668 = vector.shape_cast %get3A_667 : vector<1x16xf32> to vector<16xf32>
      %mul3A_669 = arith.mulf %get3A_663, %get3A_668 : vector<16xf32>
      %get3A_670 = arith.constant 0 : i32
      %get3A_671 = arith.index_cast %get3A_670 : i32 to index
      %get3A_672 = arith.constant 16 : index
      %get3A_673 = tpu.vector_load %arg7[%get3A_671, %get3A_672] {strides = array<i32>} : memref<1x128xf32, #tpu.memory_space<vmem>>, vector<1x16xf32>,
      %get3A_674 = vector.shape_cast %get3A_673 : vector<1x16xf32> to vector<16xf32>
      %add3A_675 = arith.addf %mul3A_669, %get3A_674 : vector<16xf32>
      %max3A_676 = arith.constant 0.000000e+00 : f32
      %max3A_677 = vector.broadcast %max3A_676 : f32 to vector<16xf32>
      %max3A_678 = arith.maximumf %add3A_675, %max3A_677 : vector<16xf32>
      %swap3A_679 = arith.constant 3 : i32
      %swap3A_680 = arith.index_cast %swap3A_679 : i32 to index
      %swap3A_681 = arith.constant 16 : index
      %swap3A_682 = tpu.vector_load %arg8[%swap3A_680, %swap3A_681] {strides = array<i32>} : memref<8x128xf32, #tpu.memory_space<vmem>>, vector<1x16xf32>,
      %swap3A_683 = vector.shape_cast %swap3A_682 : vector<1x16xf32> to vector<16xf32>
      %swap3A_684 = vector.shape_cast %max3A_678 : vector<16xf32> to vector<1x16xf32>
      tpu.vector_store %arg8[%swap3A_680, %swap3A_681], %swap3A_684 {strides = array<i32>} : memref<8x128xf32, #tpu.memory_space<vmem>>, vector<1x16xf32>,
      %get3A_685 = arith.constant 3 : i32
      %get3A_686 = arith.index_cast %get3A_685 : i32 to index
      %get3A_687 = arith.constant 32 : index
      %get3A_688 = tpu.vector_load %arg8[%get3A_686, %get3A_687] {strides = array<i32>} : memref<8x128xf32, #tpu.memory_space<vmem>>, vector<1x16xf32>,
      %get3A_689 = vector.shape_cast %get3A_688 : vector<1x16xf32> to vector<16xf32>
      %get3A_690 = arith.constant 0 : i32
      %get3A_691 = arith.index_cast %get3A_690 : i32 to index
      %get3A_692 = arith.constant 32 : index
      %get3A_693 = tpu.vector_load %arg6[%get3A_691, %get3A_692] {strides = array<i32>} : memref<1x128xf32, #tpu.memory_space<vmem>>, vector<1x16xf32>,
      %get3A_694 = vector.shape_cast %get3A_693 : vector<1x16xf32> to vector<16xf32>
      %mul3A_695 = arith.mulf %get3A_689, %get3A_694 : vector<16xf32>
      %get3A_696 = arith.constant 0 : i32
      %get3A_697 = arith.index_cast %get3A_696 : i32 to index
      %get3A_698 = arith.constant 32 : index
      %get3A_699 = tpu.vector_load %arg7[%get3A_697, %get3A_698] {strides = array<i32>} : memref<1x128xf32, #tpu.memory_space<vmem>>, vector<1x16xf32>,
      %get3A_700 = vector.shape_cast %get3A_699 : vector<1x16xf32> to vector<16xf32>
      %add3A_701 = arith.addf %mul3A_695, %get3A_700 : vector<16xf32>
      %max3A_702 = arith.constant 0.000000e+00 : f32
      %max3A_703 = vector.broadcast %max3A_702 : f32 to vector<16xf32>
      %max3A_704 = arith.maximumf %add3A_701, %max3A_703 : vector<16xf32>
      %swap3A_705 = arith.constant 3 : i32
      %swap3A_706 = arith.index_cast %swap3A_705 : i32 to index
      %swap3A_707 = arith.constant 32 : index
      %swap3A_708 = tpu.vector_load %arg8[%swap3A_706, %swap3A_707] {strides = array<i32>} : memref<8x128xf32, #tpu.memory_space<vmem>>, vector<1x16xf32>,
      %swap3A_709 = vector.shape_cast %swap3A_708 : vector<1x16xf32> to vector<16xf32>
      %swap3A_710 = vector.shape_cast %max3A_704 : vector<16xf32> to vector<1x16xf32>
      tpu.vector_store %arg8[%swap3A_706, %swap3A_707], %swap3A_710 {strides = array<i32>} : memref<8x128xf32, #tpu.memory_space<vmem>>, vector<1x16xf32>,
      %get3A_711 = arith.constant 3 : i32
      %get3A_712 = arith.index_cast %get3A_711 : i32 to index
      %get3A_713 = arith.constant 48 : index
      %get3A_714 = tpu.vector_load %arg8[%get3A_712, %get3A_713] {strides = array<i32>} : memref<8x128xf32, #tpu.memory_space<vmem>>, vector<1x16xf32>,
      %get3A_715 = vector.shape_cast %get3A_714 : vector<1x16xf32> to vector<16xf32>
      %get3A_716 = arith.constant 0 : i32
      %get3A_717 = arith.index_cast %get3A_716 : i32 to index
      %get3A_718 = arith.constant 48 : index
      %get3A_719 = tpu.vector_load %arg6[%get3A_717, %get3A_718] {strides = array<i32>} : memref<1x128xf32, #tpu.memory_space<vmem>>, vector<1x16xf32>,
      %get3A_720 = vector.shape_cast %get3A_719 : vector<1x16xf32> to vector<16xf32>
      %mul3A_721 = arith.mulf %get3A_715, %get3A_720 : vector<16xf32>
      %get3A_722 = arith.constant 0 : i32
      %get3A_723 = arith.index_cast %get3A_722 : i32 to index
      %get3A_724 = arith.constant 48 : index
      %get3A_725 = tpu.vector_load %arg7[%get3A_723, %get3A_724] {strides = array<i32>} : memref<1x128xf32, #tpu.memory_space<vmem>>, vector<1x16xf32>,
      %get3A_726 = vector.shape_cast %get3A_725 : vector<1x16xf32> to vector<16xf32>
      %add3A_727 = arith.addf %mul3A_721, %get3A_726 : vector<16xf32>
      %max3A_728 = arith.constant 0.000000e+00 : f32
      %max3A_729 = vector.broadcast %max3A_728 : f32 to vector<16xf32>
      %max3A_730 = arith.maximumf %add3A_727, %max3A_729 : vector<16xf32>
      %swap3A_731 = arith.constant 3 : i32
      %swap3A_732 = arith.index_cast %swap3A_731 : i32 to index
      %swap3A_733 = arith.constant 48 : index
      %swap3A_734 = tpu.vector_load %arg8[%swap3A_732, %swap3A_733] {strides = array<i32>} : memref<8x128xf32, #tpu.memory_space<vmem>>, vector<1x16xf32>,
      %swap3A_735 = vector.shape_cast %swap3A_734 : vector<1x16xf32> to vector<16xf32>
      %swap3A_736 = vector.shape_cast %max3A_730 : vector<16xf32> to vector<1x16xf32>
      tpu.vector_store %arg8[%swap3A_732, %swap3A_733], %swap3A_736 {strides = array<i32>} : memref<8x128xf32, #tpu.memory_space<vmem>>, vector<1x16xf32>,
      %get3A_737 = arith.constant 3 : i32
      %get3A_738 = arith.index_cast %get3A_737 : i32 to index
      %get3A_739 = arith.constant 64 : index
      %get3A_740 = tpu.vector_load %arg8[%get3A_738, %get3A_739] {strides = array<i32>} : memref<8x128xf32, #tpu.memory_space<vmem>>, vector<1x16xf32>,
      %get3A_741 = vector.shape_cast %get3A_740 : vector<1x16xf32> to vector<16xf32>
      %get3A_742 = arith.constant 0 : i32
      %get3A_743 = arith.index_cast %get3A_742 : i32 to index
      %get3A_744 = arith.constant 64 : index
      %get3A_745 = tpu.vector_load %arg6[%get3A_743, %get3A_744] {strides = array<i32>} : memref<1x128xf32, #tpu.memory_space<vmem>>, vector<1x16xf32>,
      %get3A_746 = vector.shape_cast %get3A_745 : vector<1x16xf32> to vector<16xf32>
      %mul3A_747 = arith.mulf %get3A_741, %get3A_746 : vector<16xf32>
      %get3A_748 = arith.constant 0 : i32
      %get3A_749 = arith.index_cast %get3A_748 : i32 to index
      %get3A_750 = arith.constant 64 : index
      %get3A_751 = tpu.vector_load %arg7[%get3A_749, %get3A_750] {strides = array<i32>} : memref<1x128xf32, #tpu.memory_space<vmem>>, vector<1x16xf32>,
      %get3A_752 = vector.shape_cast %get3A_751 : vector<1x16xf32> to vector<16xf32>
      %add3A_753 = arith.addf %mul3A_747, %get3A_752 : vector<16xf32>
      %max3A_754 = arith.constant 0.000000e+00 : f32
      %max3A_755 = vector.broadcast %max3A_754 : f32 to vector<16xf32>
      %max3A_756 = arith.maximumf %add3A_753, %max3A_755 : vector<16xf32>
      %swap3A_757 = arith.constant 3 : i32
      %swap3A_758 = arith.index_cast %swap3A_757 : i32 to index
      %swap3A_759 = arith.constant 64 : index
      %swap3A_760 = tpu.vector_load %arg8[%swap3A_758, %swap3A_759] {strides = array<i32>} : memref<8x128xf32, #tpu.memory_space<vmem>>, vector<1x16xf32>,
      %swap3A_761 = vector.shape_cast %swap3A_760 : vector<1x16xf32> to vector<16xf32>
      %swap3A_762 = vector.shape_cast %max3A_756 : vector<16xf32> to vector<1x16xf32>
      tpu.vector_store %arg8[%swap3A_758, %swap3A_759], %swap3A_762 {strides = array<i32>} : memref<8x128xf32, #tpu.memory_space<vmem>>, vector<1x16xf32>,
      %get3A_763 = arith.constant 3 : i32
      %get3A_764 = arith.index_cast %get3A_763 : i32 to index
      %get3A_765 = arith.constant 80 : index
      %get3A_766 = tpu.vector_load %arg8[%get3A_764, %get3A_765] {strides = array<i32>} : memref<8x128xf32, #tpu.memory_space<vmem>>, vector<1x16xf32>,
      %get3A_767 = vector.shape_cast %get3A_766 : vector<1x16xf32> to vector<16xf32>
      %get3A_768 = arith.constant 0 : i32
      %get3A_769 = arith.index_cast %get3A_768 : i32 to index
      %get3A_770 = arith.constant 80 : index
      %get3A_771 = tpu.vector_load %arg6[%get3A_769, %get3A_770] {strides = array<i32>} : memref<1x128xf32, #tpu.memory_space<vmem>>, vector<1x16xf32>,
      %get3A_772 = vector.shape_cast %get3A_771 : vector<1x16xf32> to vector<16xf32>
      %mul3A_773 = arith.mulf %get3A_767, %get3A_772 : vector<16xf32>
      %get3A_774 = arith.constant 0 : i32
      %get3A_775 = arith.index_cast %get3A_774 : i32 to index
      %get3A_776 = arith.constant 80 : index
      %get3A_777 = tpu.vector_load %arg7[%get3A_775, %get3A_776] {strides = array<i32>} : memref<1x128xf32, #tpu.memory_space<vmem>>, vector<1x16xf32>,
      %get3A_778 = vector.shape_cast %get3A_777 : vector<1x16xf32> to vector<16xf32>
      %add3A_779 = arith.addf %mul3A_773, %get3A_778 : vector<16xf32>
      %max3A_780 = arith.constant 0.000000e+00 : f32
      %max3A_781 = vector.broadcast %max3A_780 : f32 to vector<16xf32>
      %max3A_782 = arith.maximumf %add3A_779, %max3A_781 : vector<16xf32>
      %swap3A_783 = arith.constant 3 : i32
      %swap3A_784 = arith.index_cast %swap3A_783 : i32 to index
      %swap3A_785 = arith.constant 80 : index
      %swap3A_786 = tpu.vector_load %arg8[%swap3A_784, %swap3A_785] {strides = array<i32>} : memref<8x128xf32, #tpu.memory_space<vmem>>, vector<1x16xf32>,
      %swap3A_787 = vector.shape_cast %swap3A_786 : vector<1x16xf32> to vector<16xf32>
      %swap3A_788 = vector.shape_cast %max3A_782 : vector<16xf32> to vector<1x16xf32>
      tpu.vector_store %arg8[%swap3A_784, %swap3A_785], %swap3A_788 {strides = array<i32>} : memref<8x128xf32, #tpu.memory_space<vmem>>, vector<1x16xf32>,
      %get3A_789 = arith.constant 3 : i32
      %get3A_790 = arith.index_cast %get3A_789 : i32 to index
      %get3A_791 = arith.constant 96 : index
      %get3A_792 = tpu.vector_load %arg8[%get3A_790, %get3A_791] {strides = array<i32>} : memref<8x128xf32, #tpu.memory_space<vmem>>, vector<1x16xf32>,
      %get3A_793 = vector.shape_cast %get3A_792 : vector<1x16xf32> to vector<16xf32>
      %get3A_794 = arith.constant 0 : i32
      %get3A_795 = arith.index_cast %get3A_794 : i32 to index
      %get3A_796 = arith.constant 96 : index
      %get3A_797 = tpu.vector_load %arg6[%get3A_795, %get3A_796] {strides = array<i32>} : memref<1x128xf32, #tpu.memory_space<vmem>>, vector<1x16xf32>,
      %get3A_798 = vector.shape_cast %get3A_797 : vector<1x16xf32> to vector<16xf32>
      %mul3A_799 = arith.mulf %get3A_793, %get3A_798 : vector<16xf32>
      %get3A_800 = arith.constant 0 : i32
      %get3A_801 = arith.index_cast %get3A_800 : i32 to index
      %get3A_802 = arith.constant 96 : index
      %get3A_803 = tpu.vector_load %arg7[%get3A_801, %get3A_802] {strides = array<i32>} : memref<1x128xf32, #tpu.memory_space<vmem>>, vector<1x16xf32>,
      %get3A_804 = vector.shape_cast %get3A_803 : vector<1x16xf32> to vector<16xf32>
      %add3A_805 = arith.addf %mul3A_799, %get3A_804 : vector<16xf32>
      %max3A_806 = arith.constant 0.000000e+00 : f32
      %max3A_807 = vector.broadcast %max3A_806 : f32 to vector<16xf32>
      %max3A_808 = arith.maximumf %add3A_805, %max3A_807 : vector<16xf32>
      %swap3A_809 = arith.constant 3 : i32
      %swap3A_810 = arith.index_cast %swap3A_809 : i32 to index
      %swap3A_811 = arith.constant 96 : index
      %swap3A_812 = tpu.vector_load %arg8[%swap3A_810, %swap3A_811] {strides = array<i32>} : memref<8x128xf32, #tpu.memory_space<vmem>>, vector<1x16xf32>,
      %swap3A_813 = vector.shape_cast %swap3A_812 : vector<1x16xf32> to vector<16xf32>
      %swap3A_814 = vector.shape_cast %max3A_808 : vector<16xf32> to vector<1x16xf32>
      tpu.vector_store %arg8[%swap3A_810, %swap3A_811], %swap3A_814 {strides = array<i32>} : memref<8x128xf32, #tpu.memory_space<vmem>>, vector<1x16xf32>,
      %get3A_815 = arith.constant 3 : i32
      %get3A_816 = arith.index_cast %get3A_815 : i32 to index
      %get3A_817 = arith.constant 112 : index
      %get3A_818 = tpu.vector_load %arg8[%get3A_816, %get3A_817] {strides = array<i32>} : memref<8x128xf32, #tpu.memory_space<vmem>>, vector<1x16xf32>,
      %get3A_819 = vector.shape_cast %get3A_818 : vector<1x16xf32> to vector<16xf32>
      %get3A_820 = arith.constant 0 : i32
      %get3A_821 = arith.index_cast %get3A_820 : i32 to index
      %get3A_822 = arith.constant 112 : index
      %get3A_823 = tpu.vector_load %arg6[%get3A_821, %get3A_822] {strides = array<i32>} : memref<1x128xf32, #tpu.memory_space<vmem>>, vector<1x16xf32>,
      %get3A_824 = vector.shape_cast %get3A_823 : vector<1x16xf32> to vector<16xf32>
      %mul3A_825 = arith.mulf %get3A_819, %get3A_824 : vector<16xf32>
      %get3A_826 = arith.constant 0 : i32
      %get3A_827 = arith.index_cast %get3A_826 : i32 to index
      %get3A_828 = arith.constant 112 : index
      %get3A_829 = tpu.vector_load %arg7[%get3A_827, %get3A_828] {strides = array<i32>} : memref<1x128xf32, #tpu.memory_space<vmem>>, vector<1x16xf32>,
      %get3A_830 = vector.shape_cast %get3A_829 : vector<1x16xf32> to vector<16xf32>
      %add3A_831 = arith.addf %mul3A_825, %get3A_830 : vector<16xf32>
      %max3A_832 = arith.constant 0.000000e+00 : f32
      %max3A_833 = vector.broadcast %max3A_832 : f32 to vector<16xf32>
      %max3A_834 = arith.maximumf %add3A_831, %max3A_833 : vector<16xf32>
      %swap3A_835 = arith.constant 3 : i32
      %swap3A_836 = arith.index_cast %swap3A_835 : i32 to index
      %swap3A_837 = arith.constant 112 : index
      %swap3A_838 = tpu.vector_load %arg8[%swap3A_836, %swap3A_837] {strides = array<i32>} : memref<8x128xf32, #tpu.memory_space<vmem>>, vector<1x16xf32>,
      %swap3A_839 = vector.shape_cast %swap3A_838 : vector<1x16xf32> to vector<16xf32>
      %swap3A_840 = vector.shape_cast %max3A_834 : vector<16xf32> to vector<1x16xf32>
      tpu.vector_store %arg8[%swap3A_836, %swap3A_837], %swap3A_840 {strides = array<i32>} : memref<8x128xf32, #tpu.memory_space<vmem>>, vector<1x16xf32>,
      %get3A_841 = arith.constant 4 : i32
      %get3A_842 = arith.index_cast %get3A_841 : i32 to index
      %get3A_843 = arith.constant 0 : index
      %get3A_844 = tpu.vector_load %arg8[%get3A_842, %get3A_843] {strides = array<i32>} : memref<8x128xf32, #tpu.memory_space<vmem>>, vector<1x16xf32>,
      %get3A_845 = vector.shape_cast %get3A_844 : vector<1x16xf32> to vector<16xf32>
      %get3A_846 = arith.constant 0 : i32
      %get3A_847 = arith.index_cast %get3A_846 : i32 to index
      %get3A_848 = arith.constant 0 : index
      %get3A_849 = tpu.vector_load %arg6[%get3A_847, %get3A_848] {strides = array<i32>} : memref<1x128xf32, #tpu.memory_space<vmem>>, vector<1x16xf32>,
      %get3A_850 = vector.shape_cast %get3A_849 : vector<1x16xf32> to vector<16xf32>
      %mul3A_851 = arith.mulf %get3A_845, %get3A_850 : vector<16xf32>
      %get3A_852 = arith.constant 0 : i32
      %get3A_853 = arith.index_cast %get3A_852 : i32 to index
      %get3A_854 = arith.constant 0 : index
      %get3A_855 = tpu.vector_load %arg7[%get3A_853, %get3A_854] {strides = array<i32>} : memref<1x128xf32, #tpu.memory_space<vmem>>, vector<1x16xf32>,
      %get3A_856 = vector.shape_cast %get3A_855 : vector<1x16xf32> to vector<16xf32>
      %add3A_857 = arith.addf %mul3A_851, %get3A_856 : vector<16xf32>
      %max3A_858 = arith.constant 0.000000e+00 : f32
      %max3A_859 = vector.broadcast %max3A_858 : f32 to vector<16xf32>
      %max3A_860 = arith.maximumf %add3A_857, %max3A_859 : vector<16xf32>
      %swap3A_861 = arith.constant 4 : i32
      %swap3A_862 = arith.index_cast %swap3A_861 : i32 to index
      %swap3A_863 = arith.constant 0 : index
      %swap3A_864 = tpu.vector_load %arg8[%swap3A_862, %swap3A_863] {strides = array<i32>} : memref<8x128xf32, #tpu.memory_space<vmem>>, vector<1x16xf32>,
      %swap3A_865 = vector.shape_cast %swap3A_864 : vector<1x16xf32> to vector<16xf32>
      %swap3A_866 = vector.shape_cast %max3A_860 : vector<16xf32> to vector<1x16xf32>
      tpu.vector_store %arg8[%swap3A_862, %swap3A_863], %swap3A_866 {strides = array<i32>} : memref<8x128xf32, #tpu.memory_space<vmem>>, vector<1x16xf32>,
      %get3A_867 = arith.constant 4 : i32
      %get3A_868 = arith.index_cast %get3A_867 : i32 to index
      %get3A_869 = arith.constant 16 : index
      %get3A_870 = tpu.vector_load %arg8[%get3A_868, %get3A_869] {strides = array<i32>} : memref<8x128xf32, #tpu.memory_space<vmem>>, vector<1x16xf32>,
      %get3A_871 = vector.shape_cast %get3A_870 : vector<1x16xf32> to vector<16xf32>
      %get3A_872 = arith.constant 0 : i32
      %get3A_873 = arith.index_cast %get3A_872 : i32 to index
      %get3A_874 = arith.constant 16 : index
      %get3A_875 = tpu.vector_load %arg6[%get3A_873, %get3A_874] {strides = array<i32>} : memref<1x128xf32, #tpu.memory_space<vmem>>, vector<1x16xf32>,
      %get3A_876 = vector.shape_cast %get3A_875 : vector<1x16xf32> to vector<16xf32>
      %mul3A_877 = arith.mulf %get3A_871, %get3A_876 : vector<16xf32>
      %get3A_878 = arith.constant 0 : i32
      %get3A_879 = arith.index_cast %get3A_878 : i32 to index
      %get3A_880 = arith.constant 16 : index
      %get3A_881 = tpu.vector_load %arg7[%get3A_879, %get3A_880] {strides = array<i32>} : memref<1x128xf32, #tpu.memory_space<vmem>>, vector<1x16xf32>,
      %get3A_882 = vector.shape_cast %get3A_881 : vector<1x16xf32> to vector<16xf32>
      %add3A_883 = arith.addf %mul3A_877, %get3A_882 : vector<16xf32>
      %max3A_884 = arith.constant 0.000000e+00 : f32
      %max3A_885 = vector.broadcast %max3A_884 : f32 to vector<16xf32>
      %max3A_886 = arith.maximumf %add3A_883, %max3A_885 : vector<16xf32>
      %swap3A_887 = arith.constant 4 : i32
      %swap3A_888 = arith.index_cast %swap3A_887 : i32 to index
      %swap3A_889 = arith.constant 16 : index
      %swap3A_890 = tpu.vector_load %arg8[%swap3A_888, %swap3A_889] {strides = array<i32>} : memref<8x128xf32, #tpu.memory_space<vmem>>, vector<1x16xf32>,
      %swap3A_891 = vector.shape_cast %swap3A_890 : vector<1x16xf32> to vector<16xf32>
      %swap3A_892 = vector.shape_cast %max3A_886 : vector<16xf32> to vector<1x16xf32>
      tpu.vector_store %arg8[%swap3A_888, %swap3A_889], %swap3A_892 {strides = array<i32>} : memref<8x128xf32, #tpu.memory_space<vmem>>, vector<1x16xf32>,
      %get3A_893 = arith.constant 4 : i32
      %get3A_894 = arith.index_cast %get3A_893 : i32 to index
      %get3A_895 = arith.constant 32 : index
      %get3A_896 = tpu.vector_load %arg8[%get3A_894, %get3A_895] {strides = array<i32>} : memref<8x128xf32, #tpu.memory_space<vmem>>, vector<1x16xf32>,
      %get3A_897 = vector.shape_cast %get3A_896 : vector<1x16xf32> to vector<16xf32>
      %get3A_898 = arith.constant 0 : i32
      %get3A_899 = arith.index_cast %get3A_898 : i32 to index
      %get3A_900 = arith.constant 32 : index
      %get3A_901 = tpu.vector_load %arg6[%get3A_899, %get3A_900] {strides = array<i32>} : memref<1x128xf32, #tpu.memory_space<vmem>>, vector<1x16xf32>,
      %get3A_902 = vector.shape_cast %get3A_901 : vector<1x16xf32> to vector<16xf32>
      %mul3A_903 = arith.mulf %get3A_897, %get3A_902 : vector<16xf32>
      %get3A_904 = arith.constant 0 : i32
      %get3A_905 = arith.index_cast %get3A_904 : i32 to index
      %get3A_906 = arith.constant 32 : index
      %get3A_907 = tpu.vector_load %arg7[%get3A_905, %get3A_906] {strides = array<i32>} : memref<1x128xf32, #tpu.memory_space<vmem>>, vector<1x16xf32>,
      %get3A_908 = vector.shape_cast %get3A_907 : vector<1x16xf32> to vector<16xf32>
      %add3A_909 = arith.addf %mul3A_903, %get3A_908 : vector<16xf32>
      %max3A_910 = arith.constant 0.000000e+00 : f32
      %max3A_911 = vector.broadcast %max3A_910 : f32 to vector<16xf32>
      %max3A_912 = arith.maximumf %add3A_909, %max3A_911 : vector<16xf32>
      %swap3A_913 = arith.constant 4 : i32
      %swap3A_914 = arith.index_cast %swap3A_913 : i32 to index
      %swap3A_915 = arith.constant 32 : index
      %swap3A_916 = tpu.vector_load %arg8[%swap3A_914, %swap3A_915] {strides = array<i32>} : memref<8x128xf32, #tpu.memory_space<vmem>>, vector<1x16xf32>,
      %swap3A_917 = vector.shape_cast %swap3A_916 : vector<1x16xf32> to vector<16xf32>
      %swap3A_918 = vector.shape_cast %max3A_912 : vector<16xf32> to vector<1x16xf32>
      tpu.vector_store %arg8[%swap3A_914, %swap3A_915], %swap3A_918 {strides = array<i32>} : memref<8x128xf32, #tpu.memory_space<vmem>>, vector<1x16xf32>,
      %get3A_919 = arith.constant 4 : i32
      %get3A_920 = arith.index_cast %get3A_919 : i32 to index
      %get3A_921 = arith.constant 48 : index
      %get3A_922 = tpu.vector_load %arg8[%get3A_920, %get3A_921] {strides = array<i32>} : memref<8x128xf32, #tpu.memory_space<vmem>>, vector<1x16xf32>,
      %get3A_923 = vector.shape_cast %get3A_922 : vector<1x16xf32> to vector<16xf32>
      %get3A_924 = arith.constant 0 : i32
      %get3A_925 = arith.index_cast %get3A_924 : i32 to index
      %get3A_926 = arith.constant 48 : index
      %get3A_927 = tpu.vector_load %arg6[%get3A_925, %get3A_926] {strides = array<i32>} : memref<1x128xf32, #tpu.memory_space<vmem>>, vector<1x16xf32>,
      %get3A_928 = vector.shape_cast %get3A_927 : vector<1x16xf32> to vector<16xf32>
      %mul3A_929 = arith.mulf %get3A_923, %get3A_928 : vector<16xf32>
      %get3A_930 = arith.constant 0 : i32
      %get3A_931 = arith.index_cast %get3A_930 : i32 to index
      %get3A_932 = arith.constant 48 : index
      %get3A_933 = tpu.vector_load %arg7[%get3A_931, %get3A_932] {strides = array<i32>} : memref<1x128xf32, #tpu.memory_space<vmem>>, vector<1x16xf32>,
      %get3A_934 = vector.shape_cast %get3A_933 : vector<1x16xf32> to vector<16xf32>
      %add3A_935 = arith.addf %mul3A_929, %get3A_934 : vector<16xf32>
      %max3A_936 = arith.constant 0.000000e+00 : f32
      %max3A_937 = vector.broadcast %max3A_936 : f32 to vector<16xf32>
      %max3A_938 = arith.maximumf %add3A_935, %max3A_937 : vector<16xf32>
      %swap3A_939 = arith.constant 4 : i32
      %swap3A_940 = arith.index_cast %swap3A_939 : i32 to index
      %swap3A_941 = arith.constant 48 : index
      %swap3A_942 = tpu.vector_load %arg8[%swap3A_940, %swap3A_941] {strides = array<i32>} : memref<8x128xf32, #tpu.memory_space<vmem>>, vector<1x16xf32>,
      %swap3A_943 = vector.shape_cast %swap3A_942 : vector<1x16xf32> to vector<16xf32>
      %swap3A_944 = vector.shape_cast %max3A_938 : vector<16xf32> to vector<1x16xf32>
      tpu.vector_store %arg8[%swap3A_940, %swap3A_941], %swap3A_944 {strides = array<i32>} : memref<8x128xf32, #tpu.memory_space<vmem>>, vector<1x16xf32>,
      %get3A_945 = arith.constant 4 : i32
      %get3A_946 = arith.index_cast %get3A_945 : i32 to index
      %get3A_947 = arith.constant 64 : index
      %get3A_948 = tpu.vector_load %arg8[%get3A_946, %get3A_947] {strides = array<i32>} : memref<8x128xf32, #tpu.memory_space<vmem>>, vector<1x16xf32>,
      %get3A_949 = vector.shape_cast %get3A_948 : vector<1x16xf32> to vector<16xf32>
      %get3A_950 = arith.constant 0 : i32
      %get3A_951 = arith.index_cast %get3A_950 : i32 to index
      %get3A_952 = arith.constant 64 : index
      %get3A_953 = tpu.vector_load %arg6[%get3A_951, %get3A_952] {strides = array<i32>} : memref<1x128xf32, #tpu.memory_space<vmem>>, vector<1x16xf32>,
      %get3A_954 = vector.shape_cast %get3A_953 : vector<1x16xf32> to vector<16xf32>
      %mul3A_955 = arith.mulf %get3A_949, %get3A_954 : vector<16xf32>
      %get3A_956 = arith.constant 0 : i32
      %get3A_957 = arith.index_cast %get3A_956 : i32 to index
      %get3A_958 = arith.constant 64 : index
      %get3A_959 = tpu.vector_load %arg7[%get3A_957, %get3A_958] {strides = array<i32>} : memref<1x128xf32, #tpu.memory_space<vmem>>, vector<1x16xf32>,
      %get3A_960 = vector.shape_cast %get3A_959 : vector<1x16xf32> to vector<16xf32>
      %add3A_961 = arith.addf %mul3A_955, %get3A_960 : vector<16xf32>
      %max3A_962 = arith.constant 0.000000e+00 : f32
      %max3A_963 = vector.broadcast %max3A_962 : f32 to vector<16xf32>
      %max3A_964 = arith.maximumf %add3A_961, %max3A_963 : vector<16xf32>
      %swap3A_965 = arith.constant 4 : i32
      %swap3A_966 = arith.index_cast %swap3A_965 : i32 to index
      %swap3A_967 = arith.constant 64 : index
      %swap3A_968 = tpu.vector_load %arg8[%swap3A_966, %swap3A_967] {strides = array<i32>} : memref<8x128xf32, #tpu.memory_space<vmem>>, vector<1x16xf32>,
      %swap3A_969 = vector.shape_cast %swap3A_968 : vector<1x16xf32> to vector<16xf32>
      %swap3A_970 = vector.shape_cast %max3A_964 : vector<16xf32> to vector<1x16xf32>
      tpu.vector_store %arg8[%swap3A_966, %swap3A_967], %swap3A_970 {strides = array<i32>} : memref<8x128xf32, #tpu.memory_space<vmem>>, vector<1x16xf32>,
      %get3A_971 = arith.constant 4 : i32
      %get3A_972 = arith.index_cast %get3A_971 : i32 to index
      %get3A_973 = arith.constant 80 : index
      %get3A_974 = tpu.vector_load %arg8[%get3A_972, %get3A_973] {strides = array<i32>} : memref<8x128xf32, #tpu.memory_space<vmem>>, vector<1x16xf32>,
      %get3A_975 = vector.shape_cast %get3A_974 : vector<1x16xf32> to vector<16xf32>
      %get3A_976 = arith.constant 0 : i32
      %get3A_977 = arith.index_cast %get3A_976 : i32 to index
      %get3A_978 = arith.constant 80 : index
      %get3A_979 = tpu.vector_load %arg6[%get3A_977, %get3A_978] {strides = array<i32>} : memref<1x128xf32, #tpu.memory_space<vmem>>, vector<1x16xf32>,
      %get3A_980 = vector.shape_cast %get3A_979 : vector<1x16xf32> to vector<16xf32>
      %mul3A_981 = arith.mulf %get3A_975, %get3A_980 : vector<16xf32>
      %get3A_982 = arith.constant 0 : i32
      %get3A_983 = arith.index_cast %get3A_982 : i32 to index
      %get3A_984 = arith.constant 80 : index
      %get3A_985 = tpu.vector_load %arg7[%get3A_983, %get3A_984] {strides = array<i32>} : memref<1x128xf32, #tpu.memory_space<vmem>>, vector<1x16xf32>,
      %get3A_986 = vector.shape_cast %get3A_985 : vector<1x16xf32> to vector<16xf32>
      %add3A_987 = arith.addf %mul3A_981, %get3A_986 : vector<16xf32>
      %max3A_988 = arith.constant 0.000000e+00 : f32
      %max3A_989 = vector.broadcast %max3A_988 : f32 to vector<16xf32>
      %max3A_990 = arith.maximumf %add3A_987, %max3A_989 : vector<16xf32>
      %swap3A_991 = arith.constant 4 : i32
      %swap3A_992 = arith.index_cast %swap3A_991 : i32 to index
      %swap3A_993 = arith.constant 80 : index
      %swap3A_994 = tpu.vector_load %arg8[%swap3A_992, %swap3A_993] {strides = array<i32>} : memref<8x128xf32, #tpu.memory_space<vmem>>, vector<1x16xf32>,
      %swap3A_995 = vector.shape_cast %swap3A_994 : vector<1x16xf32> to vector<16xf32>
      %swap3A_996 = vector.shape_cast %max3A_990 : vector<16xf32> to vector<1x16xf32>
      tpu.vector_store %arg8[%swap3A_992, %swap3A_993], %swap3A_996 {strides = array<i32>} : memref<8x128xf32, #tpu.memory_space<vmem>>, vector<1x16xf32>,
      %get3A_997 = arith.constant 4 : i32
      %get3A_998 = arith.index_cast %get3A_997 : i32 to index
      %get3A_999 = arith.constant 96 : index
      %get3A_1000 = tpu.vector_load %arg8[%get3A_998, %get3A_999] {strides = array<i32>} : memref<8x128xf32, #tpu.memory_space<vmem>>, vector<1x16xf32>,
      %get3A_1001 = vector.shape_cast %get3A_1000 : vector<1x16xf32> to vector<16xf32>
      %get3A_1002 = arith.constant 0 : i32
      %get3A_1003 = arith.index_cast %get3A_1002 : i32 to index
      %get3A_1004 = arith.constant 96 : index
      %get3A_1005 = tpu.vector_load %arg6[%get3A_1003, %get3A_1004] {strides = array<i32>} : memref<1x128xf32, #tpu.memory_space<vmem>>, vector<1x16xf32>,
      %get3A_1006 = vector.shape_cast %get3A_1005 : vector<1x16xf32> to vector<16xf32>
      %mul3A_1007 = arith.mulf %get3A_1001, %get3A_1006 : vector<16xf32>
      %get3A_1008 = arith.constant 0 : i32
      %get3A_1009 = arith.index_cast %get3A_1008 : i32 to index
      %get3A_1010 = arith.constant 96 : index
      %get3A_1011 = tpu.vector_load %arg7[%get3A_1009, %get3A_1010] {strides = array<i32>} : memref<1x128xf32, #tpu.memory_space<vmem>>, vector<1x16xf32>,
      %get3A_1012 = vector.shape_cast %get3A_1011 : vector<1x16xf32> to vector<16xf32>
      %add3A_1013 = arith.addf %mul3A_1007, %get3A_1012 : vector<16xf32>
      %max3A_1014 = arith.constant 0.000000e+00 : f32
      %max3A_1015 = vector.broadcast %max3A_1014 : f32 to vector<16xf32>
      %max3A_1016 = arith.maximumf %add3A_1013, %max3A_1015 : vector<16xf32>
      %swap3A_1017 = arith.constant 4 : i32
      %swap3A_1018 = arith.index_cast %swap3A_1017 : i32 to index
      %swap3A_1019 = arith.constant 96 : index
      %swap3A_1020 = tpu.vector_load %arg8[%swap3A_1018, %swap3A_1019] {strides = array<i32>} : memref<8x128xf32, #tpu.memory_space<vmem>>, vector<1x16xf32>,
      %swap3A_1021 = vector.shape_cast %swap3A_1020 : vector<1x16xf32> to vector<16xf32>
      %swap3A_1022 = vector.shape_cast %max3A_1016 : vector<16xf32> to vector<1x16xf32>
      tpu.vector_store %arg8[%swap3A_1018, %swap3A_1019], %swap3A_1022 {strides = array<i32>} : memref<8x128xf32, #tpu.memory_space<vmem>>, vector<1x16xf32>,
      %get3A_1023 = arith.constant 4 : i32
      %get3A_1024 = arith.index_cast %get3A_1023 : i32 to index
      %get3A_1025 = arith.constant 112 : index
      %get3A_1026 = tpu.vector_load %arg8[%get3A_1024, %get3A_1025] {strides = array<i32>} : memref<8x128xf32, #tpu.memory_space<vmem>>, vector<1x16xf32>,
      %get3A_1027 = vector.shape_cast %get3A_1026 : vector<1x16xf32> to vector<16xf32>
      %get3A_1028 = arith.constant 0 : i32
      %get3A_1029 = arith.index_cast %get3A_1028 : i32 to index
      %get3A_1030 = arith.constant 112 : index
      %get3A_1031 = tpu.vector_load %arg6[%get3A_1029, %get3A_1030] {strides = array<i32>} : memref<1x128xf32, #tpu.memory_space<vmem>>, vector<1x16xf32>,
      %get3A_1032 = vector.shape_cast %get3A_1031 : vector<1x16xf32> to vector<16xf32>
      %mul3A_1033 = arith.mulf %get3A_1027, %get3A_1032 : vector<16xf32>
      %get3A_1034 = arith.constant 0 : i32
      %get3A_1035 = arith.index_cast %get3A_1034 : i32 to index
      %get3A_1036 = arith.constant 112 : index
      %get3A_1037 = tpu.vector_load %arg7[%get3A_1035, %get3A_1036] {strides = array<i32>} : memref<1x128xf32, #tpu.memory_space<vmem>>, vector<1x16xf32>,
      %get3A_1038 = vector.shape_cast %get3A_1037 : vector<1x16xf32> to vector<16xf32>
      %add3A_1039 = arith.addf %mul3A_1033, %get3A_1038 : vector<16xf32>
      %max3A_1040 = arith.constant 0.000000e+00 : f32
      %max3A_1041 = vector.broadcast %max3A_1040 : f32 to vector<16xf32>
      %max3A_1042 = arith.maximumf %add3A_1039, %max3A_1041 : vector<16xf32>
      %swap3A_1043 = arith.constant 4 : i32
      %swap3A_1044 = arith.index_cast %swap3A_1043 : i32 to index
      %swap3A_1045 = arith.constant 112 : index
      %swap3A_1046 = tpu.vector_load %arg8[%swap3A_1044, %swap3A_1045] {strides = array<i32>} : memref<8x128xf32, #tpu.memory_space<vmem>>, vector<1x16xf32>,
      %swap3A_1047 = vector.shape_cast %swap3A_1046 : vector<1x16xf32> to vector<16xf32>
      %swap3A_1048 = vector.shape_cast %max3A_1042 : vector<16xf32> to vector<1x16xf32>
      tpu.vector_store %arg8[%swap3A_1044, %swap3A_1045], %swap3A_1048 {strides = array<i32>} : memref<8x128xf32, #tpu.memory_space<vmem>>, vector<1x16xf32>,
      %get3A_1049 = arith.constant 5 : i32
      %get3A_1050 = arith.index_cast %get3A_1049 : i32 to index
      %get3A_1051 = arith.constant 0 : index
      %get3A_1052 = tpu.vector_load %arg8[%get3A_1050, %get3A_1051] {strides = array<i32>} : memref<8x128xf32, #tpu.memory_space<vmem>>, vector<1x16xf32>,
      %get3A_1053 = vector.shape_cast %get3A_1052 : vector<1x16xf32> to vector<16xf32>
      %get3A_1054 = arith.constant 0 : i32
      %get3A_1055 = arith.index_cast %get3A_1054 : i32 to index
      %get3A_1056 = arith.constant 0 : index
      %get3A_1057 = tpu.vector_load %arg6[%get3A_1055, %get3A_1056] {strides = array<i32>} : memref<1x128xf32, #tpu.memory_space<vmem>>, vector<1x16xf32>,
      %get3A_1058 = vector.shape_cast %get3A_1057 : vector<1x16xf32> to vector<16xf32>
      %mul3A_1059 = arith.mulf %get3A_1053, %get3A_1058 : vector<16xf32>
      %get3A_1060 = arith.constant 0 : i32
      %get3A_1061 = arith.index_cast %get3A_1060 : i32 to index
      %get3A_1062 = arith.constant 0 : index
      %get3A_1063 = tpu.vector_load %arg7[%get3A_1061, %get3A_1062] {strides = array<i32>} : memref<1x128xf32, #tpu.memory_space<vmem>>, vector<1x16xf32>,
      %get3A_1064 = vector.shape_cast %get3A_1063 : vector<1x16xf32> to vector<16xf32>
      %add3A_1065 = arith.addf %mul3A_1059, %get3A_1064 : vector<16xf32>
      %max3A_1066 = arith.constant 0.000000e+00 : f32
      %max3A_1067 = vector.broadcast %max3A_1066 : f32 to vector<16xf32>
      %max3A_1068 = arith.maximumf %add3A_1065, %max3A_1067 : vector<16xf32>
      %swap3A_1069 = arith.constant 5 : i32
      %swap3A_1070 = arith.index_cast %swap3A_1069 : i32 to index
      %swap3A_1071 = arith.constant 0 : index
      %swap3A_1072 = tpu.vector_load %arg8[%swap3A_1070, %swap3A_1071] {strides = array<i32>} : memref<8x128xf32, #tpu.memory_space<vmem>>, vector<1x16xf32>,
      %swap3A_1073 = vector.shape_cast %swap3A_1072 : vector<1x16xf32> to vector<16xf32>
      %swap3A_1074 = vector.shape_cast %max3A_1068 : vector<16xf32> to vector<1x16xf32>
      tpu.vector_store %arg8[%swap3A_1070, %swap3A_1071], %swap3A_1074 {strides = array<i32>} : memref<8x128xf32, #tpu.memory_space<vmem>>, vector<1x16xf32>,
      %get3A_1075 = arith.constant 5 : i32
      %get3A_1076 = arith.index_cast %get3A_1075 : i32 to index
      %get3A_1077 = arith.constant 16 : index
      %get3A_1078 = tpu.vector_load %arg8[%get3A_1076, %get3A_1077] {strides = array<i32>} : memref<8x128xf32, #tpu.memory_space<vmem>>, vector<1x16xf32>,
      %get3A_1079 = vector.shape_cast %get3A_1078 : vector<1x16xf32> to vector<16xf32>
      %get3A_1080 = arith.constant 0 : i32
      %get3A_1081 = arith.index_cast %get3A_1080 : i32 to index
      %get3A_1082 = arith.constant 16 : index
      %get3A_1083 = tpu.vector_load %arg6[%get3A_1081, %get3A_1082] {strides = array<i32>} : memref<1x128xf32, #tpu.memory_space<vmem>>, vector<1x16xf32>,
      %get3A_1084 = vector.shape_cast %get3A_1083 : vector<1x16xf32> to vector<16xf32>
      %mul3A_1085 = arith.mulf %get3A_1079, %get3A_1084 : vector<16xf32>
      %get3A_1086 = arith.constant 0 : i32
      %get3A_1087 = arith.index_cast %get3A_1086 : i32 to index
      %get3A_1088 = arith.constant 16 : index
      %get3A_1089 = tpu.vector_load %arg7[%get3A_1087, %get3A_1088] {strides = array<i32>} : memref<1x128xf32, #tpu.memory_space<vmem>>, vector<1x16xf32>,
      %get3A_1090 = vector.shape_cast %get3A_1089 : vector<1x16xf32> to vector<16xf32>
      %add3A_1091 = arith.addf %mul3A_1085, %get3A_1090 : vector<16xf32>
      %max3A_1092 = arith.constant 0.000000e+00 : f32
      %max3A_1093 = vector.broadcast %max3A_1092 : f32 to vector<16xf32>
      %max3A_1094 = arith.maximumf %add3A_1091, %max3A_1093 : vector<16xf32>
      %swap3A_1095 = arith.constant 5 : i32
      %swap3A_1096 = arith.index_cast %swap3A_1095 : i32 to index
      %swap3A_1097 = arith.constant 16 : index
      %swap3A_1098 = tpu.vector_load %arg8[%swap3A_1096, %swap3A_1097] {strides = array<i32>} : memref<8x128xf32, #tpu.memory_space<vmem>>, vector<1x16xf32>,
      %swap3A_1099 = vector.shape_cast %swap3A_1098 : vector<1x16xf32> to vector<16xf32>
      %swap3A_1100 = vector.shape_cast %max3A_1094 : vector<16xf32> to vector<1x16xf32>
      tpu.vector_store %arg8[%swap3A_1096, %swap3A_1097], %swap3A_1100 {strides = array<i32>} : memref<8x128xf32, #tpu.memory_space<vmem>>, vector<1x16xf32>,
      %get3A_1101 = arith.constant 5 : i32
      %get3A_1102 = arith.index_cast %get3A_1101 : i32 to index
      %get3A_1103 = arith.constant 32 : index
      %get3A_1104 = tpu.vector_load %arg8[%get3A_1102, %get3A_1103] {strides = array<i32>} : memref<8x128xf32, #tpu.memory_space<vmem>>, vector<1x16xf32>,
      %get3A_1105 = vector.shape_cast %get3A_1104 : vector<1x16xf32> to vector<16xf32>
      %get3A_1106 = arith.constant 0 : i32
      %get3A_1107 = arith.index_cast %get3A_1106 : i32 to index
      %get3A_1108 = arith.constant 32 : index
      %get3A_1109 = tpu.vector_load %arg6[%get3A_1107, %get3A_1108] {strides = array<i32>} : memref<1x128xf32, #tpu.memory_space<vmem>>, vector<1x16xf32>,
      %get3A_1110 = vector.shape_cast %get3A_1109 : vector<1x16xf32> to vector<16xf32>
      %mul3A_1111 = arith.mulf %get3A_1105, %get3A_1110 : vector<16xf32>
      %get3A_1112 = arith.constant 0 : i32
      %get3A_1113 = arith.index_cast %get3A_1112 : i32 to index
      %get3A_1114 = arith.constant 32 : index
      %get3A_1115 = tpu.vector_load %arg7[%get3A_1113, %get3A_1114] {strides = array<i32>} : memref<1x128xf32, #tpu.memory_space<vmem>>, vector<1x16xf32>,
      %get3A_1116 = vector.shape_cast %get3A_1115 : vector<1x16xf32> to vector<16xf32>
      %add3A_1117 = arith.addf %mul3A_1111, %get3A_1116 : vector<16xf32>
      %max3A_1118 = arith.constant 0.000000e+00 : f32
      %max3A_1119 = vector.broadcast %max3A_1118 : f32 to vector<16xf32>
      %max3A_1120 = arith.maximumf %add3A_1117, %max3A_1119 : vector<16xf32>
      %swap3A_1121 = arith.constant 5 : i32
      %swap3A_1122 = arith.index_cast %swap3A_1121 : i32 to index
      %swap3A_1123 = arith.constant 32 : index
      %swap3A_1124 = tpu.vector_load %arg8[%swap3A_1122, %swap3A_1123] {strides = array<i32>} : memref<8x128xf32, #tpu.memory_space<vmem>>, vector<1x16xf32>,
      %swap3A_1125 = vector.shape_cast %swap3A_1124 : vector<1x16xf32> to vector<16xf32>
      %swap3A_1126 = vector.shape_cast %max3A_1120 : vector<16xf32> to vector<1x16xf32>
      tpu.vector_store %arg8[%swap3A_1122, %swap3A_1123], %swap3A_1126 {strides = array<i32>} : memref<8x128xf32, #tpu.memory_space<vmem>>, vector<1x16xf32>,
      %get3A_1127 = arith.constant 5 : i32
      %get3A_1128 = arith.index_cast %get3A_1127 : i32 to index
      %get3A_1129 = arith.constant 48 : index
      %get3A_1130 = tpu.vector_load %arg8[%get3A_1128, %get3A_1129] {strides = array<i32>} : memref<8x128xf32, #tpu.memory_space<vmem>>, vector<1x16xf32>,
      %get3A_1131 = vector.shape_cast %get3A_1130 : vector<1x16xf32> to vector<16xf32>
      %get3A_1132 = arith.constant 0 : i32
      %get3A_1133 = arith.index_cast %get3A_1132 : i32 to index
      %get3A_1134 = arith.constant 48 : index
      %get3A_1135 = tpu.vector_load %arg6[%get3A_1133, %get3A_1134] {strides = array<i32>} : memref<1x128xf32, #tpu.memory_space<vmem>>, vector<1x16xf32>,
      %get3A_1136 = vector.shape_cast %get3A_1135 : vector<1x16xf32> to vector<16xf32>
      %mul3A_1137 = arith.mulf %get3A_1131, %get3A_1136 : vector<16xf32>
      %get3A_1138 = arith.constant 0 : i32
      %get3A_1139 = arith.index_cast %get3A_1138 : i32 to index
      %get3A_1140 = arith.constant 48 : index
      %get3A_1141 = tpu.vector_load %arg7[%get3A_1139, %get3A_1140] {strides = array<i32>} : memref<1x128xf32, #tpu.memory_space<vmem>>, vector<1x16xf32>,
      %get3A_1142 = vector.shape_cast %get3A_1141 : vector<1x16xf32> to vector<16xf32>
      %add3A_1143 = arith.addf %mul3A_1137, %get3A_1142 : vector<16xf32>
      %max3A_1144 = arith.constant 0.000000e+00 : f32
      %max3A_1145 = vector.broadcast %max3A_1144 : f32 to vector<16xf32>
      %max3A_1146 = arith.maximumf %add3A_1143, %max3A_1145 : vector<16xf32>
      %swap3A_1147 = arith.constant 5 : i32
      %swap3A_1148 = arith.index_cast %swap3A_1147 : i32 to index
      %swap3A_1149 = arith.constant 48 : index
      %swap3A_1150 = tpu.vector_load %arg8[%swap3A_1148, %swap3A_1149] {strides = array<i32>} : memref<8x128xf32, #tpu.memory_space<vmem>>, vector<1x16xf32>,
      %swap3A_1151 = vector.shape_cast %swap3A_1150 : vector<1x16xf32> to vector<16xf32>
      %swap3A_1152 = vector.shape_cast %max3A_1146 : vector<16xf32> to vector<1x16xf32>
      tpu.vector_store %arg8[%swap3A_1148, %swap3A_1149], %swap3A_1152 {strides = array<i32>} : memref<8x128xf32, #tpu.memory_space<vmem>>, vector<1x16xf32>,
      %get3A_1153 = arith.constant 5 : i32
      %get3A_1154 = arith.index_cast %get3A_1153 : i32 to index
      %get3A_1155 = arith.constant 64 : index
      %get3A_1156 = tpu.vector_load %arg8[%get3A_1154, %get3A_1155] {strides = array<i32>} : memref<8x128xf32, #tpu.memory_space<vmem>>, vector<1x16xf32>,
      %get3A_1157 = vector.shape_cast %get3A_1156 : vector<1x16xf32> to vector<16xf32>
      %get3A_1158 = arith.constant 0 : i32
      %get3A_1159 = arith.index_cast %get3A_1158 : i32 to index
      %get3A_1160 = arith.constant 64 : index
      %get3A_1161 = tpu.vector_load %arg6[%get3A_1159, %get3A_1160] {strides = array<i32>} : memref<1x128xf32, #tpu.memory_space<vmem>>, vector<1x16xf32>,
      %get3A_1162 = vector.shape_cast %get3A_1161 : vector<1x16xf32> to vector<16xf32>
      %mul3A_1163 = arith.mulf %get3A_1157, %get3A_1162 : vector<16xf32>
      %get3A_1164 = arith.constant 0 : i32
      %get3A_1165 = arith.index_cast %get3A_1164 : i32 to index
      %get3A_1166 = arith.constant 64 : index
      %get3A_1167 = tpu.vector_load %arg7[%get3A_1165, %get3A_1166] {strides = array<i32>} : memref<1x128xf32, #tpu.memory_space<vmem>>, vector<1x16xf32>,
      %get3A_1168 = vector.shape_cast %get3A_1167 : vector<1x16xf32> to vector<16xf32>
      %add3A_1169 = arith.addf %mul3A_1163, %get3A_1168 : vector<16xf32>
      %max3A_1170 = arith.constant 0.000000e+00 : f32
      %max3A_1171 = vector.broadcast %max3A_1170 : f32 to vector<16xf32>
      %max3A_1172 = arith.maximumf %add3A_1169, %max3A_1171 : vector<16xf32>
      %swap3A_1173 = arith.constant 5 : i32
      %swap3A_1174 = arith.index_cast %swap3A_1173 : i32 to index
      %swap3A_1175 = arith.constant 64 : index
      %swap3A_1176 = tpu.vector_load %arg8[%swap3A_1174, %swap3A_1175] {strides = array<i32>} : memref<8x128xf32, #tpu.memory_space<vmem>>, vector<1x16xf32>,
      %swap3A_1177 = vector.shape_cast %swap3A_1176 : vector<1x16xf32> to vector<16xf32>
      %swap3A_1178 = vector.shape_cast %max3A_1172 : vector<16xf32> to vector<1x16xf32>
      tpu.vector_store %arg8[%swap3A_1174, %swap3A_1175], %swap3A_1178 {strides = array<i32>} : memref<8x128xf32, #tpu.memory_space<vmem>>, vector<1x16xf32>,
      %get3A_1179 = arith.constant 5 : i32
      %get3A_1180 = arith.index_cast %get3A_1179 : i32 to index
      %get3A_1181 = arith.constant 80 : index
      %get3A_1182 = tpu.vector_load %arg8[%get3A_1180, %get3A_1181] {strides = array<i32>} : memref<8x128xf32, #tpu.memory_space<vmem>>, vector<1x16xf32>,
      %get3A_1183 = vector.shape_cast %get3A_1182 : vector<1x16xf32> to vector<16xf32>
      %get3A_1184 = arith.constant 0 : i32
      %get3A_1185 = arith.index_cast %get3A_1184 : i32 to index
      %get3A_1186 = arith.constant 80 : index
      %get3A_1187 = tpu.vector_load %arg6[%get3A_1185, %get3A_1186] {strides = array<i32>} : memref<1x128xf32, #tpu.memory_space<vmem>>, vector<1x16xf32>,
      %get3A_1188 = vector.shape_cast %get3A_1187 : vector<1x16xf32> to vector<16xf32>
      %mul3A_1189 = arith.mulf %get3A_1183, %get3A_1188 : vector<16xf32>
      %get3A_1190 = arith.constant 0 : i32
      %get3A_1191 = arith.index_cast %get3A_1190 : i32 to index
      %get3A_1192 = arith.constant 80 : index
      %get3A_1193 = tpu.vector_load %arg7[%get3A_1191, %get3A_1192] {strides = array<i32>} : memref<1x128xf32, #tpu.memory_space<vmem>>, vector<1x16xf32>,
      %get3A_1194 = vector.shape_cast %get3A_1193 : vector<1x16xf32> to vector<16xf32>
      %add3A_1195 = arith.addf %mul3A_1189, %get3A_1194 : vector<16xf32>
      %max3A_1196 = arith.constant 0.000000e+00 : f32
      %max3A_1197 = vector.broadcast %max3A_1196 : f32 to vector<16xf32>
      %max3A_1198 = arith.maximumf %add3A_1195, %max3A_1197 : vector<16xf32>
      %swap3A_1199 = arith.constant 5 : i32
      %swap3A_1200 = arith.index_cast %swap3A_1199 : i32 to index
      %swap3A_1201 = arith.constant 80 : index
      %swap3A_1202 = tpu.vector_load %arg8[%swap3A_1200, %swap3A_1201] {strides = array<i32>} : memref<8x128xf32, #tpu.memory_space<vmem>>, vector<1x16xf32>,
      %swap3A_1203 = vector.shape_cast %swap3A_1202 : vector<1x16xf32> to vector<16xf32>
      %swap3A_1204 = vector.shape_cast %max3A_1198 : vector<16xf32> to vector<1x16xf32>
      tpu.vector_store %arg8[%swap3A_1200, %swap3A_1201], %swap3A_1204 {strides = array<i32>} : memref<8x128xf32, #tpu.memory_space<vmem>>, vector<1x16xf32>,
      %get3A_1205 = arith.constant 5 : i32
      %get3A_1206 = arith.index_cast %get3A_1205 : i32 to index
      %get3A_1207 = arith.constant 96 : index
      %get3A_1208 = tpu.vector_load %arg8[%get3A_1206, %get3A_1207] {strides = array<i32>} : memref<8x128xf32, #tpu.memory_space<vmem>>, vector<1x16xf32>,
      %get3A_1209 = vector.shape_cast %get3A_1208 : vector<1x16xf32> to vector<16xf32>
      %get3A_1210 = arith.constant 0 : i32
      %get3A_1211 = arith.index_cast %get3A_1210 : i32 to index
      %get3A_1212 = arith.constant 96 : index
      %get3A_1213 = tpu.vector_load %arg6[%get3A_1211, %get3A_1212] {strides = array<i32>} : memref<1x128xf32, #tpu.memory_space<vmem>>, vector<1x16xf32>,
      %get3A_1214 = vector.shape_cast %get3A_1213 : vector<1x16xf32> to vector<16xf32>
      %mul3A_1215 = arith.mulf %get3A_1209, %get3A_1214 : vector<16xf32>
      %get3A_1216 = arith.constant 0 : i32
      %get3A_1217 = arith.index_cast %get3A_1216 : i32 to index
      %get3A_1218 = arith.constant 96 : index
      %get3A_1219 = tpu.vector_load %arg7[%get3A_1217, %get3A_1218] {strides = array<i32>} : memref<1x128xf32, #tpu.memory_space<vmem>>, vector<1x16xf32>,
      %get3A_1220 = vector.shape_cast %get3A_1219 : vector<1x16xf32> to vector<16xf32>
      %add3A_1221 = arith.addf %mul3A_1215, %get3A_1220 : vector<16xf32>
      %max3A_1222 = arith.constant 0.000000e+00 : f32
      %max3A_1223 = vector.broadcast %max3A_1222 : f32 to vector<16xf32>
      %max3A_1224 = arith.maximumf %add3A_1221, %max3A_1223 : vector<16xf32>
      %swap3A_1225 = arith.constant 5 : i32
      %swap3A_1226 = arith.index_cast %swap3A_1225 : i32 to index
      %swap3A_1227 = arith.constant 96 : index
      %swap3A_1228 = tpu.vector_load %arg8[%swap3A_1226, %swap3A_1227] {strides = array<i32>} : memref<8x128xf32, #tpu.memory_space<vmem>>, vector<1x16xf32>,
      %swap3A_1229 = vector.shape_cast %swap3A_1228 : vector<1x16xf32> to vector<16xf32>
      %swap3A_1230 = vector.shape_cast %max3A_1224 : vector<16xf32> to vector<1x16xf32>
      tpu.vector_store %arg8[%swap3A_1226, %swap3A_1227], %swap3A_1230 {strides = array<i32>} : memref<8x128xf32, #tpu.memory_space<vmem>>, vector<1x16xf32>,
      %get3A_1231 = arith.constant 5 : i32
      %get3A_1232 = arith.index_cast %get3A_1231 : i32 to index
      %get3A_1233 = arith.constant 112 : index
      %get3A_1234 = tpu.vector_load %arg8[%get3A_1232, %get3A_1233] {strides = array<i32>} : memref<8x128xf32, #tpu.memory_space<vmem>>, vector<1x16xf32>,
      %get3A_1235 = vector.shape_cast %get3A_1234 : vector<1x16xf32> to vector<16xf32>
      %get3A_1236 = arith.constant 0 : i32
      %get3A_1237 = arith.index_cast %get3A_1236 : i32 to index
      %get3A_1238 = arith.constant 112 : index
      %get3A_1239 = tpu.vector_load %arg6[%get3A_1237, %get3A_1238] {strides = array<i32>} : memref<1x128xf32, #tpu.memory_space<vmem>>, vector<1x16xf32>,
      %get3A_1240 = vector.shape_cast %get3A_1239 : vector<1x16xf32> to vector<16xf32>
      %mul3A_1241 = arith.mulf %get3A_1235, %get3A_1240 : vector<16xf32>
      %get3A_1242 = arith.constant 0 : i32
      %get3A_1243 = arith.index_cast %get3A_1242 : i32 to index
      %get3A_1244 = arith.constant 112 : index
      %get3A_1245 = tpu.vector_load %arg7[%get3A_1243, %get3A_1244] {strides = array<i32>} : memref<1x128xf32, #tpu.memory_space<vmem>>, vector<1x16xf32>,
      %get3A_1246 = vector.shape_cast %get3A_1245 : vector<1x16xf32> to vector<16xf32>
      %add3A_1247 = arith.addf %mul3A_1241, %get3A_1246 : vector<16xf32>
      %max3A_1248 = arith.constant 0.000000e+00 : f32
      %max3A_1249 = vector.broadcast %max3A_1248 : f32 to vector<16xf32>
      %max3A_1250 = arith.maximumf %add3A_1247, %max3A_1249 : vector<16xf32>
      %swap3A_1251 = arith.constant 5 : i32
      %swap3A_1252 = arith.index_cast %swap3A_1251 : i32 to index
      %swap3A_1253 = arith.constant 112 : index
      %swap3A_1254 = tpu.vector_load %arg8[%swap3A_1252, %swap3A_1253] {strides = array<i32>} : memref<8x128xf32, #tpu.memory_space<vmem>>, vector<1x16xf32>,
      %swap3A_1255 = vector.shape_cast %swap3A_1254 : vector<1x16xf32> to vector<16xf32>
      %swap3A_1256 = vector.shape_cast %max3A_1250 : vector<16xf32> to vector<1x16xf32>
      tpu.vector_store %arg8[%swap3A_1252, %swap3A_1253], %swap3A_1256 {strides = array<i32>} : memref<8x128xf32, #tpu.memory_space<vmem>>, vector<1x16xf32>,
      %get3A_1257 = arith.constant 6 : i32
      %get3A_1258 = arith.index_cast %get3A_1257 : i32 to index
      %get3A_1259 = arith.constant 0 : index
      %get3A_1260 = tpu.vector_load %arg8[%get3A_1258, %get3A_1259] {strides = array<i32>} : memref<8x128xf32, #tpu.memory_space<vmem>>, vector<1x16xf32>,
      %get3A_1261 = vector.shape_cast %get3A_1260 : vector<1x16xf32> to vector<16xf32>
      %get3A_1262 = arith.constant 0 : i32
      %get3A_1263 = arith.index_cast %get3A_1262 : i32 to index
      %get3A_1264 = arith.constant 0 : index
      %get3A_1265 = tpu.vector_load %arg6[%get3A_1263, %get3A_1264] {strides = array<i32>} : memref<1x128xf32, #tpu.memory_space<vmem>>, vector<1x16xf32>,
      %get3A_1266 = vector.shape_cast %get3A_1265 : vector<1x16xf32> to vector<16xf32>
      %mul3A_1267 = arith.mulf %get3A_1261, %get3A_1266 : vector<16xf32>
      %get3A_1268 = arith.constant 0 : i32
      %get3A_1269 = arith.index_cast %get3A_1268 : i32 to index
      %get3A_1270 = arith.constant 0 : index
      %get3A_1271 = tpu.vector_load %arg7[%get3A_1269, %get3A_1270] {strides = array<i32>} : memref<1x128xf32, #tpu.memory_space<vmem>>, vector<1x16xf32>,
      %get3A_1272 = vector.shape_cast %get3A_1271 : vector<1x16xf32> to vector<16xf32>
      %add3A_1273 = arith.addf %mul3A_1267, %get3A_1272 : vector<16xf32>
      %max3A_1274 = arith.constant 0.000000e+00 : f32
      %max3A_1275 = vector.broadcast %max3A_1274 : f32 to vector<16xf32>
      %max3A_1276 = arith.maximumf %add3A_1273, %max3A_1275 : vector<16xf32>
      %swap3A_1277 = arith.constant 6 : i32
      %swap3A_1278 = arith.index_cast %swap3A_1277 : i32 to index
      %swap3A_1279 = arith.constant 0 : index
      %swap3A_1280 = tpu.vector_load %arg8[%swap3A_1278, %swap3A_1279] {strides = array<i32>} : memref<8x128xf32, #tpu.memory_space<vmem>>, vector<1x16xf32>,
      %swap3A_1281 = vector.shape_cast %swap3A_1280 : vector<1x16xf32> to vector<16xf32>
      %swap3A_1282 = vector.shape_cast %max3A_1276 : vector<16xf32> to vector<1x16xf32>
      tpu.vector_store %arg8[%swap3A_1278, %swap3A_1279], %swap3A_1282 {strides = array<i32>} : memref<8x128xf32, #tpu.memory_space<vmem>>, vector<1x16xf32>,
      %get3A_1283 = arith.constant 6 : i32
      %get3A_1284 = arith.index_cast %get3A_1283 : i32 to index
      %get3A_1285 = arith.constant 16 : index
      %get3A_1286 = tpu.vector_load %arg8[%get3A_1284, %get3A_1285] {strides = array<i32>} : memref<8x128xf32, #tpu.memory_space<vmem>>, vector<1x16xf32>,
      %get3A_1287 = vector.shape_cast %get3A_1286 : vector<1x16xf32> to vector<16xf32>
      %get3A_1288 = arith.constant 0 : i32
      %get3A_1289 = arith.index_cast %get3A_1288 : i32 to index
      %get3A_1290 = arith.constant 16 : index
      %get3A_1291 = tpu.vector_load %arg6[%get3A_1289, %get3A_1290] {strides = array<i32>} : memref<1x128xf32, #tpu.memory_space<vmem>>, vector<1x16xf32>,
      %get3A_1292 = vector.shape_cast %get3A_1291 : vector<1x16xf32> to vector<16xf32>
      %mul3A_1293 = arith.mulf %get3A_1287, %get3A_1292 : vector<16xf32>
      %get3A_1294 = arith.constant 0 : i32
      %get3A_1295 = arith.index_cast %get3A_1294 : i32 to index
      %get3A_1296 = arith.constant 16 : index
      %get3A_1297 = tpu.vector_load %arg7[%get3A_1295, %get3A_1296] {strides = array<i32>} : memref<1x128xf32, #tpu.memory_space<vmem>>, vector<1x16xf32>,
      %get3A_1298 = vector.shape_cast %get3A_1297 : vector<1x16xf32> to vector<16xf32>
      %add3A_1299 = arith.addf %mul3A_1293, %get3A_1298 : vector<16xf32>
      %max3A_1300 = arith.constant 0.000000e+00 : f32
      %max3A_1301 = vector.broadcast %max3A_1300 : f32 to vector<16xf32>
      %max3A_1302 = arith.maximumf %add3A_1299, %max3A_1301 : vector<16xf32>
      %swap3A_1303 = arith.constant 6 : i32
      %swap3A_1304 = arith.index_cast %swap3A_1303 : i32 to index
      %swap3A_1305 = arith.constant 16 : index
      %swap3A_1306 = tpu.vector_load %arg8[%swap3A_1304, %swap3A_1305] {strides = array<i32>} : memref<8x128xf32, #tpu.memory_space<vmem>>, vector<1x16xf32>,
      %swap3A_1307 = vector.shape_cast %swap3A_1306 : vector<1x16xf32> to vector<16xf32>
      %swap3A_1308 = vector.shape_cast %max3A_1302 : vector<16xf32> to vector<1x16xf32>
      tpu.vector_store %arg8[%swap3A_1304, %swap3A_1305], %swap3A_1308 {strides = array<i32>} : memref<8x128xf32, #tpu.memory_space<vmem>>, vector<1x16xf32>,
      %get3A_1309 = arith.constant 6 : i32
      %get3A_1310 = arith.index_cast %get3A_1309 : i32 to index
      %get3A_1311 = arith.constant 32 : index
      %get3A_1312 = tpu.vector_load %arg8[%get3A_1310, %get3A_1311] {strides = array<i32>} : memref<8x128xf32, #tpu.memory_space<vmem>>, vector<1x16xf32>,
      %get3A_1313 = vector.shape_cast %get3A_1312 : vector<1x16xf32> to vector<16xf32>
      %get3A_1314 = arith.constant 0 : i32
      %get3A_1315 = arith.index_cast %get3A_1314 : i32 to index
      %get3A_1316 = arith.constant 32 : index
      %get3A_1317 = tpu.vector_load %arg6[%get3A_1315, %get3A_1316] {strides = array<i32>} : memref<1x128xf32, #tpu.memory_space<vmem>>, vector<1x16xf32>,
      %get3A_1318 = vector.shape_cast %get3A_1317 : vector<1x16xf32> to vector<16xf32>
      %mul3A_1319 = arith.mulf %get3A_1313, %get3A_1318 : vector<16xf32>
      %get3A_1320 = arith.constant 0 : i32
      %get3A_1321 = arith.index_cast %get3A_1320 : i32 to index
      %get3A_1322 = arith.constant 32 : index
      %get3A_1323 = tpu.vector_load %arg7[%get3A_1321, %get3A_1322] {strides = array<i32>} : memref<1x128xf32, #tpu.memory_space<vmem>>, vector<1x16xf32>,
      %get3A_1324 = vector.shape_cast %get3A_1323 : vector<1x16xf32> to vector<16xf32>
      %add3A_1325 = arith.addf %mul3A_1319, %get3A_1324 : vector<16xf32>
      %max3A_1326 = arith.constant 0.000000e+00 : f32
      %max3A_1327 = vector.broadcast %max3A_1326 : f32 to vector<16xf32>
      %max3A_1328 = arith.maximumf %add3A_1325, %max3A_1327 : vector<16xf32>
      %swap3A_1329 = arith.constant 6 : i32
      %swap3A_1330 = arith.index_cast %swap3A_1329 : i32 to index
      %swap3A_1331 = arith.constant 32 : index
      %swap3A_1332 = tpu.vector_load %arg8[%swap3A_1330, %swap3A_1331] {strides = array<i32>} : memref<8x128xf32, #tpu.memory_space<vmem>>, vector<1x16xf32>,
      %swap3A_1333 = vector.shape_cast %swap3A_1332 : vector<1x16xf32> to vector<16xf32>
      %swap3A_1334 = vector.shape_cast %max3A_1328 : vector<16xf32> to vector<1x16xf32>
      tpu.vector_store %arg8[%swap3A_1330, %swap3A_1331], %swap3A_1334 {strides = array<i32>} : memref<8x128xf32, #tpu.memory_space<vmem>>, vector<1x16xf32>,
      %get3A_1335 = arith.constant 6 : i32
      %get3A_1336 = arith.index_cast %get3A_1335 : i32 to index
      %get3A_1337 = arith.constant 48 : index
      %get3A_1338 = tpu.vector_load %arg8[%get3A_1336, %get3A_1337] {strides = array<i32>} : memref<8x128xf32, #tpu.memory_space<vmem>>, vector<1x16xf32>,
      %get3A_1339 = vector.shape_cast %get3A_1338 : vector<1x16xf32> to vector<16xf32>
      %get3A_1340 = arith.constant 0 : i32
      %get3A_1341 = arith.index_cast %get3A_1340 : i32 to index
      %get3A_1342 = arith.constant 48 : index
      %get3A_1343 = tpu.vector_load %arg6[%get3A_1341, %get3A_1342] {strides = array<i32>} : memref<1x128xf32, #tpu.memory_space<vmem>>, vector<1x16xf32>,
      %get3A_1344 = vector.shape_cast %get3A_1343 : vector<1x16xf32> to vector<16xf32>
      %mul3A_1345 = arith.mulf %get3A_1339, %get3A_1344 : vector<16xf32>
      %get3A_1346 = arith.constant 0 : i32
      %get3A_1347 = arith.index_cast %get3A_1346 : i32 to index
      %get3A_1348 = arith.constant 48 : index
      %get3A_1349 = tpu.vector_load %arg7[%get3A_1347, %get3A_1348] {strides = array<i32>} : memref<1x128xf32, #tpu.memory_space<vmem>>, vector<1x16xf32>,
      %get3A_1350 = vector.shape_cast %get3A_1349 : vector<1x16xf32> to vector<16xf32>
      %add3A_1351 = arith.addf %mul3A_1345, %get3A_1350 : vector<16xf32>
      %max3A_1352 = arith.constant 0.000000e+00 : f32
      %max3A_1353 = vector.broadcast %max3A_1352 : f32 to vector<16xf32>
      %max3A_1354 = arith.maximumf %add3A_1351, %max3A_1353 : vector<16xf32>
      %swap3A_1355 = arith.constant 6 : i32
      %swap3A_1356 = arith.index_cast %swap3A_1355 : i32 to index
      %swap3A_1357 = arith.constant 48 : index
      %swap3A_1358 = tpu.vector_load %arg8[%swap3A_1356, %swap3A_1357] {strides = array<i32>} : memref<8x128xf32, #tpu.memory_space<vmem>>, vector<1x16xf32>,
      %swap3A_1359 = vector.shape_cast %swap3A_1358 : vector<1x16xf32> to vector<16xf32>
      %swap3A_1360 = vector.shape_cast %max3A_1354 : vector<16xf32> to vector<1x16xf32>
      tpu.vector_store %arg8[%swap3A_1356, %swap3A_1357], %swap3A_1360 {strides = array<i32>} : memref<8x128xf32, #tpu.memory_space<vmem>>, vector<1x16xf32>,
      %get3A_1361 = arith.constant 6 : i32
      %get3A_1362 = arith.index_cast %get3A_1361 : i32 to index
      %get3A_1363 = arith.constant 64 : index
      %get3A_1364 = tpu.vector_load %arg8[%get3A_1362, %get3A_1363] {strides = array<i32>} : memref<8x128xf32, #tpu.memory_space<vmem>>, vector<1x16xf32>,
      %get3A_1365 = vector.shape_cast %get3A_1364 : vector<1x16xf32> to vector<16xf32>
      %get3A_1366 = arith.constant 0 : i32
      %get3A_1367 = arith.index_cast %get3A_1366 : i32 to index
      %get3A_1368 = arith.constant 64 : index
      %get3A_1369 = tpu.vector_load %arg6[%get3A_1367, %get3A_1368] {strides = array<i32>} : memref<1x128xf32, #tpu.memory_space<vmem>>, vector<1x16xf32>,
      %get3A_1370 = vector.shape_cast %get3A_1369 : vector<1x16xf32> to vector<16xf32>
      %mul3A_1371 = arith.mulf %get3A_1365, %get3A_1370 : vector<16xf32>
      %get3A_1372 = arith.constant 0 : i32
      %get3A_1373 = arith.index_cast %get3A_1372 : i32 to index
      %get3A_1374 = arith.constant 64 : index
      %get3A_1375 = tpu.vector_load %arg7[%get3A_1373, %get3A_1374] {strides = array<i32>} : memref<1x128xf32, #tpu.memory_space<vmem>>, vector<1x16xf32>,
      %get3A_1376 = vector.shape_cast %get3A_1375 : vector<1x16xf32> to vector<16xf32>
      %add3A_1377 = arith.addf %mul3A_1371, %get3A_1376 : vector<16xf32>
      %max3A_1378 = arith.constant 0.000000e+00 : f32
      %max3A_1379 = vector.broadcast %max3A_1378 : f32 to vector<16xf32>
      %max3A_1380 = arith.maximumf %add3A_1377, %max3A_1379 : vector<16xf32>
      %swap3A_1381 = arith.constant 6 : i32
      %swap3A_1382 = arith.index_cast %swap3A_1381 : i32 to index
      %swap3A_1383 = arith.constant 64 : index
      %swap3A_1384 = tpu.vector_load %arg8[%swap3A_1382, %swap3A_1383] {strides = array<i32>} : memref<8x128xf32, #tpu.memory_space<vmem>>, vector<1x16xf32>,
      %swap3A_1385 = vector.shape_cast %swap3A_1384 : vector<1x16xf32> to vector<16xf32>
      %swap3A_1386 = vector.shape_cast %max3A_1380 : vector<16xf32> to vector<1x16xf32>
      tpu.vector_store %arg8[%swap3A_1382, %swap3A_1383], %swap3A_1386 {strides = array<i32>} : memref<8x128xf32, #tpu.memory_space<vmem>>, vector<1x16xf32>,
      %get3A_1387 = arith.constant 6 : i32
      %get3A_1388 = arith.index_cast %get3A_1387 : i32 to index
      %get3A_1389 = arith.constant 80 : index
      %get3A_1390 = tpu.vector_load %arg8[%get3A_1388, %get3A_1389] {strides = array<i32>} : memref<8x128xf32, #tpu.memory_space<vmem>>, vector<1x16xf32>,
      %get3A_1391 = vector.shape_cast %get3A_1390 : vector<1x16xf32> to vector<16xf32>
      %get3A_1392 = arith.constant 0 : i32
      %get3A_1393 = arith.index_cast %get3A_1392 : i32 to index
      %get3A_1394 = arith.constant 80 : index
      %get3A_1395 = tpu.vector_load %arg6[%get3A_1393, %get3A_1394] {strides = array<i32>} : memref<1x128xf32, #tpu.memory_space<vmem>>, vector<1x16xf32>,
      %get3A_1396 = vector.shape_cast %get3A_1395 : vector<1x16xf32> to vector<16xf32>
      %mul3A_1397 = arith.mulf %get3A_1391, %get3A_1396 : vector<16xf32>
      %get3A_1398 = arith.constant 0 : i32
      %get3A_1399 = arith.index_cast %get3A_1398 : i32 to index
      %get3A_1400 = arith.constant 80 : index
      %get3A_1401 = tpu.vector_load %arg7[%get3A_1399, %get3A_1400] {strides = array<i32>} : memref<1x128xf32, #tpu.memory_space<vmem>>, vector<1x16xf32>,
      %get3A_1402 = vector.shape_cast %get3A_1401 : vector<1x16xf32> to vector<16xf32>
      %add3A_1403 = arith.addf %mul3A_1397, %get3A_1402 : vector<16xf32>
      %max3A_1404 = arith.constant 0.000000e+00 : f32
      %max3A_1405 = vector.broadcast %max3A_1404 : f32 to vector<16xf32>
      %max3A_1406 = arith.maximumf %add3A_1403, %max3A_1405 : vector<16xf32>
      %swap3A_1407 = arith.constant 6 : i32
      %swap3A_1408 = arith.index_cast %swap3A_1407 : i32 to index
      %swap3A_1409 = arith.constant 80 : index
      %swap3A_1410 = tpu.vector_load %arg8[%swap3A_1408, %swap3A_1409] {strides = array<i32>} : memref<8x128xf32, #tpu.memory_space<vmem>>, vector<1x16xf32>,
      %swap3A_1411 = vector.shape_cast %swap3A_1410 : vector<1x16xf32> to vector<16xf32>
      %swap3A_1412 = vector.shape_cast %max3A_1406 : vector<16xf32> to vector<1x16xf32>
      tpu.vector_store %arg8[%swap3A_1408, %swap3A_1409], %swap3A_1412 {strides = array<i32>} : memref<8x128xf32, #tpu.memory_space<vmem>>, vector<1x16xf32>,
      %get3A_1413 = arith.constant 6 : i32
      %get3A_1414 = arith.index_cast %get3A_1413 : i32 to index
      %get3A_1415 = arith.constant 96 : index
      %get3A_1416 = tpu.vector_load %arg8[%get3A_1414, %get3A_1415] {strides = array<i32>} : memref<8x128xf32, #tpu.memory_space<vmem>>, vector<1x16xf32>,
      %get3A_1417 = vector.shape_cast %get3A_1416 : vector<1x16xf32> to vector<16xf32>
      %get3A_1418 = arith.constant 0 : i32
      %get3A_1419 = arith.index_cast %get3A_1418 : i32 to index
      %get3A_1420 = arith.constant 96 : index
      %get3A_1421 = tpu.vector_load %arg6[%get3A_1419, %get3A_1420] {strides = array<i32>} : memref<1x128xf32, #tpu.memory_space<vmem>>, vector<1x16xf32>,
      %get3A_1422 = vector.shape_cast %get3A_1421 : vector<1x16xf32> to vector<16xf32>
      %mul3A_1423 = arith.mulf %get3A_1417, %get3A_1422 : vector<16xf32>
      %get3A_1424 = arith.constant 0 : i32
      %get3A_1425 = arith.index_cast %get3A_1424 : i32 to index
      %get3A_1426 = arith.constant 96 : index
      %get3A_1427 = tpu.vector_load %arg7[%get3A_1425, %get3A_1426] {strides = array<i32>} : memref<1x128xf32, #tpu.memory_space<vmem>>, vector<1x16xf32>,
      %get3A_1428 = vector.shape_cast %get3A_1427 : vector<1x16xf32> to vector<16xf32>
      %add3A_1429 = arith.addf %mul3A_1423, %get3A_1428 : vector<16xf32>
      %max3A_1430 = arith.constant 0.000000e+00 : f32
      %max3A_1431 = vector.broadcast %max3A_1430 : f32 to vector<16xf32>
      %max3A_1432 = arith.maximumf %add3A_1429, %max3A_1431 : vector<16xf32>
      %swap3A_1433 = arith.constant 6 : i32
      %swap3A_1434 = arith.index_cast %swap3A_1433 : i32 to index
      %swap3A_1435 = arith.constant 96 : index
      %swap3A_1436 = tpu.vector_load %arg8[%swap3A_1434, %swap3A_1435] {strides = array<i32>} : memref<8x128xf32, #tpu.memory_space<vmem>>, vector<1x16xf32>,
      %swap3A_1437 = vector.shape_cast %swap3A_1436 : vector<1x16xf32> to vector<16xf32>
      %swap3A_1438 = vector.shape_cast %max3A_1432 : vector<16xf32> to vector<1x16xf32>
      tpu.vector_store %arg8[%swap3A_1434, %swap3A_1435], %swap3A_1438 {strides = array<i32>} : memref<8x128xf32, #tpu.memory_space<vmem>>, vector<1x16xf32>,
      %get3A_1439 = arith.constant 6 : i32
      %get3A_1440 = arith.index_cast %get3A_1439 : i32 to index
      %get3A_1441 = arith.constant 112 : index
      %get3A_1442 = tpu.vector_load %arg8[%get3A_1440, %get3A_1441] {strides = array<i32>} : memref<8x128xf32, #tpu.memory_space<vmem>>, vector<1x16xf32>,
      %get3A_1443 = vector.shape_cast %get3A_1442 : vector<1x16xf32> to vector<16xf32>
      %get3A_1444 = arith.constant 0 : i32
      %get3A_1445 = arith.index_cast %get3A_1444 : i32 to index
      %get3A_1446 = arith.constant 112 : index
      %get3A_1447 = tpu.vector_load %arg6[%get3A_1445, %get3A_1446] {strides = array<i32>} : memref<1x128xf32, #tpu.memory_space<vmem>>, vector<1x16xf32>,
      %get3A_1448 = vector.shape_cast %get3A_1447 : vector<1x16xf32> to vector<16xf32>
      %mul3A_1449 = arith.mulf %get3A_1443, %get3A_1448 : vector<16xf32>
      %get3A_1450 = arith.constant 0 : i32
      %get3A_1451 = arith.index_cast %get3A_1450 : i32 to index
      %get3A_1452 = arith.constant 112 : index
      %get3A_1453 = tpu.vector_load %arg7[%get3A_1451, %get3A_1452] {strides = array<i32>} : memref<1x128xf32, #tpu.memory_space<vmem>>, vector<1x16xf32>,
      %get3A_1454 = vector.shape_cast %get3A_1453 : vector<1x16xf32> to vector<16xf32>
      %add3A_1455 = arith.addf %mul3A_1449, %get3A_1454 : vector<16xf32>
      %max3A_1456 = arith.constant 0.000000e+00 : f32
      %max3A_1457 = vector.broadcast %max3A_1456 : f32 to vector<16xf32>
      %max3A_1458 = arith.maximumf %add3A_1455, %max3A_1457 : vector<16xf32>
      %swap3A_1459 = arith.constant 6 : i32
      %swap3A_1460 = arith.index_cast %swap3A_1459 : i32 to index
      %swap3A_1461 = arith.constant 112 : index
      %swap3A_1462 = tpu.vector_load %arg8[%swap3A_1460, %swap3A_1461] {strides = array<i32>} : memref<8x128xf32, #tpu.memory_space<vmem>>, vector<1x16xf32>,
      %swap3A_1463 = vector.shape_cast %swap3A_1462 : vector<1x16xf32> to vector<16xf32>
      %swap3A_1464 = vector.shape_cast %max3A_1458 : vector<16xf32> to vector<1x16xf32>
      tpu.vector_store %arg8[%swap3A_1460, %swap3A_1461], %swap3A_1464 {strides = array<i32>} : memref<8x128xf32, #tpu.memory_space<vmem>>, vector<1x16xf32>,
      %get3A_1465 = arith.constant 7 : i32
      %get3A_1466 = arith.index_cast %get3A_1465 : i32 to index
      %get3A_1467 = arith.constant 0 : index
      %get3A_1468 = tpu.vector_load %arg8[%get3A_1466, %get3A_1467] {strides = array<i32>} : memref<8x128xf32, #tpu.memory_space<vmem>>, vector<1x16xf32>,
      %get3A_1469 = vector.shape_cast %get3A_1468 : vector<1x16xf32> to vector<16xf32>
      %get3A_1470 = arith.constant 0 : i32
      %get3A_1471 = arith.index_cast %get3A_1470 : i32 to index
      %get3A_1472 = arith.constant 0 : index
      %get3A_1473 = tpu.vector_load %arg6[%get3A_1471, %get3A_1472] {strides = array<i32>} : memref<1x128xf32, #tpu.memory_space<vmem>>, vector<1x16xf32>,
      %get3A_1474 = vector.shape_cast %get3A_1473 : vector<1x16xf32> to vector<16xf32>
      %mul3A_1475 = arith.mulf %get3A_1469, %get3A_1474 : vector<16xf32>
      %get3A_1476 = arith.constant 0 : i32
      %get3A_1477 = arith.index_cast %get3A_1476 : i32 to index
      %get3A_1478 = arith.constant 0 : index
      %get3A_1479 = tpu.vector_load %arg7[%get3A_1477, %get3A_1478] {strides = array<i32>} : memref<1x128xf32, #tpu.memory_space<vmem>>, vector<1x16xf32>,
      %get3A_1480 = vector.shape_cast %get3A_1479 : vector<1x16xf32> to vector<16xf32>
      %add3A_1481 = arith.addf %mul3A_1475, %get3A_1480 : vector<16xf32>
      %max3A_1482 = arith.constant 0.000000e+00 : f32
      %max3A_1483 = vector.broadcast %max3A_1482 : f32 to vector<16xf32>
      %max3A_1484 = arith.maximumf %add3A_1481, %max3A_1483 : vector<16xf32>
      %swap3A_1485 = arith.constant 7 : i32
      %swap3A_1486 = arith.index_cast %swap3A_1485 : i32 to index
      %swap3A_1487 = arith.constant 0 : index
      %swap3A_1488 = tpu.vector_load %arg8[%swap3A_1486, %swap3A_1487] {strides = array<i32>} : memref<8x128xf32, #tpu.memory_space<vmem>>, vector<1x16xf32>,
      %swap3A_1489 = vector.shape_cast %swap3A_1488 : vector<1x16xf32> to vector<16xf32>
      %swap3A_1490 = vector.shape_cast %max3A_1484 : vector<16xf32> to vector<1x16xf32>
      tpu.vector_store %arg8[%swap3A_1486, %swap3A_1487], %swap3A_1490 {strides = array<i32>} : memref<8x128xf32, #tpu.memory_space<vmem>>, vector<1x16xf32>,
      %get3A_1491 = arith.constant 7 : i32
      %get3A_1492 = arith.index_cast %get3A_1491 : i32 to index
      %get3A_1493 = arith.constant 16 : index
      %get3A_1494 = tpu.vector_load %arg8[%get3A_1492, %get3A_1493] {strides = array<i32>} : memref<8x128xf32, #tpu.memory_space<vmem>>, vector<1x16xf32>,
      %get3A_1495 = vector.shape_cast %get3A_1494 : vector<1x16xf32> to vector<16xf32>
      %get3A_1496 = arith.constant 0 : i32
      %get3A_1497 = arith.index_cast %get3A_1496 : i32 to index
      %get3A_1498 = arith.constant 16 : index
      %get3A_1499 = tpu.vector_load %arg6[%get3A_1497, %get3A_1498] {strides = array<i32>} : memref<1x128xf32, #tpu.memory_space<vmem>>, vector<1x16xf32>,
      %get3A_1500 = vector.shape_cast %get3A_1499 : vector<1x16xf32> to vector<16xf32>
      %mul3A_1501 = arith.mulf %get3A_1495, %get3A_1500 : vector<16xf32>
      %get3A_1502 = arith.constant 0 : i32
      %get3A_1503 = arith.index_cast %get3A_1502 : i32 to index
      %get3A_1504 = arith.constant 16 : index
      %get3A_1505 = tpu.vector_load %arg7[%get3A_1503, %get3A_1504] {strides = array<i32>} : memref<1x128xf32, #tpu.memory_space<vmem>>, vector<1x16xf32>,
      %get3A_1506 = vector.shape_cast %get3A_1505 : vector<1x16xf32> to vector<16xf32>
      %add3A_1507 = arith.addf %mul3A_1501, %get3A_1506 : vector<16xf32>
      %max3A_1508 = arith.constant 0.000000e+00 : f32
      %max3A_1509 = vector.broadcast %max3A_1508 : f32 to vector<16xf32>
      %max3A_1510 = arith.maximumf %add3A_1507, %max3A_1509 : vector<16xf32>
      %swap3A_1511 = arith.constant 7 : i32
      %swap3A_1512 = arith.index_cast %swap3A_1511 : i32 to index
      %swap3A_1513 = arith.constant 16 : index
      %swap3A_1514 = tpu.vector_load %arg8[%swap3A_1512, %swap3A_1513] {strides = array<i32>} : memref<8x128xf32, #tpu.memory_space<vmem>>, vector<1x16xf32>,
      %swap3A_1515 = vector.shape_cast %swap3A_1514 : vector<1x16xf32> to vector<16xf32>
      %swap3A_1516 = vector.shape_cast %max3A_1510 : vector<16xf32> to vector<1x16xf32>
      tpu.vector_store %arg8[%swap3A_1512, %swap3A_1513], %swap3A_1516 {strides = array<i32>} : memref<8x128xf32, #tpu.memory_space<vmem>>, vector<1x16xf32>,
      %get3A_1517 = arith.constant 7 : i32
      %get3A_1518 = arith.index_cast %get3A_1517 : i32 to index
      %get3A_1519 = arith.constant 32 : index
      %get3A_1520 = tpu.vector_load %arg8[%get3A_1518, %get3A_1519] {strides = array<i32>} : memref<8x128xf32, #tpu.memory_space<vmem>>, vector<1x16xf32>,
      %get3A_1521 = vector.shape_cast %get3A_1520 : vector<1x16xf32> to vector<16xf32>
      %get3A_1522 = arith.constant 0 : i32
      %get3A_1523 = arith.index_cast %get3A_1522 : i32 to index
      %get3A_1524 = arith.constant 32 : index
      %get3A_1525 = tpu.vector_load %arg6[%get3A_1523, %get3A_1524] {strides = array<i32>} : memref<1x128xf32, #tpu.memory_space<vmem>>, vector<1x16xf32>,
      %get3A_1526 = vector.shape_cast %get3A_1525 : vector<1x16xf32> to vector<16xf32>
      %mul3A_1527 = arith.mulf %get3A_1521, %get3A_1526 : vector<16xf32>
      %get3A_1528 = arith.constant 0 : i32
      %get3A_1529 = arith.index_cast %get3A_1528 : i32 to index
      %get3A_1530 = arith.constant 32 : index
      %get3A_1531 = tpu.vector_load %arg7[%get3A_1529, %get3A_1530] {strides = array<i32>} : memref<1x128xf32, #tpu.memory_space<vmem>>, vector<1x16xf32>,
      %get3A_1532 = vector.shape_cast %get3A_1531 : vector<1x16xf32> to vector<16xf32>
      %add3A_1533 = arith.addf %mul3A_1527, %get3A_1532 : vector<16xf32>
      %max3A_1534 = arith.constant 0.000000e+00 : f32
      %max3A_1535 = vector.broadcast %max3A_1534 : f32 to vector<16xf32>
      %max3A_1536 = arith.maximumf %add3A_1533, %max3A_1535 : vector<16xf32>
      %swap3A_1537 = arith.constant 7 : i32
      %swap3A_1538 = arith.index_cast %swap3A_1537 : i32 to index
      %swap3A_1539 = arith.constant 32 : index
      %swap3A_1540 = tpu.vector_load %arg8[%swap3A_1538, %swap3A_1539] {strides = array<i32>} : memref<8x128xf32, #tpu.memory_space<vmem>>, vector<1x16xf32>,
      %swap3A_1541 = vector.shape_cast %swap3A_1540 : vector<1x16xf32> to vector<16xf32>
      %swap3A_1542 = vector.shape_cast %max3A_1536 : vector<16xf32> to vector<1x16xf32>
      tpu.vector_store %arg8[%swap3A_1538, %swap3A_1539], %swap3A_1542 {strides = array<i32>} : memref<8x128xf32, #tpu.memory_space<vmem>>, vector<1x16xf32>,
      %get3A_1543 = arith.constant 7 : i32
      %get3A_1544 = arith.index_cast %get3A_1543 : i32 to index
      %get3A_1545 = arith.constant 48 : index
      %get3A_1546 = tpu.vector_load %arg8[%get3A_1544, %get3A_1545] {strides = array<i32>} : memref<8x128xf32, #tpu.memory_space<vmem>>, vector<1x16xf32>,
      %get3A_1547 = vector.shape_cast %get3A_1546 : vector<1x16xf32> to vector<16xf32>
      %get3A_1548 = arith.constant 0 : i32
      %get3A_1549 = arith.index_cast %get3A_1548 : i32 to index
      %get3A_1550 = arith.constant 48 : index
      %get3A_1551 = tpu.vector_load %arg6[%get3A_1549, %get3A_1550] {strides = array<i32>} : memref<1x128xf32, #tpu.memory_space<vmem>>, vector<1x16xf32>,
      %get3A_1552 = vector.shape_cast %get3A_1551 : vector<1x16xf32> to vector<16xf32>
      %mul3A_1553 = arith.mulf %get3A_1547, %get3A_1552 : vector<16xf32>
      %get3A_1554 = arith.constant 0 : i32
      %get3A_1555 = arith.index_cast %get3A_1554 : i32 to index
      %get3A_1556 = arith.constant 48 : index
      %get3A_1557 = tpu.vector_load %arg7[%get3A_1555, %get3A_1556] {strides = array<i32>} : memref<1x128xf32, #tpu.memory_space<vmem>>, vector<1x16xf32>,
      %get3A_1558 = vector.shape_cast %get3A_1557 : vector<1x16xf32> to vector<16xf32>
      %add3A_1559 = arith.addf %mul3A_1553, %get3A_1558 : vector<16xf32>
      %max3A_1560 = arith.constant 0.000000e+00 : f32
      %max3A_1561 = vector.broadcast %max3A_1560 : f32 to vector<16xf32>
      %max3A_1562 = arith.maximumf %add3A_1559, %max3A_1561 : vector<16xf32>
      %swap3A_1563 = arith.constant 7 : i32
      %swap3A_1564 = arith.index_cast %swap3A_1563 : i32 to index
      %swap3A_1565 = arith.constant 48 : index
      %swap3A_1566 = tpu.vector_load %arg8[%swap3A_1564, %swap3A_1565] {strides = array<i32>} : memref<8x128xf32, #tpu.memory_space<vmem>>, vector<1x16xf32>,
      %swap3A_1567 = vector.shape_cast %swap3A_1566 : vector<1x16xf32> to vector<16xf32>
      %swap3A_1568 = vector.shape_cast %max3A_1562 : vector<16xf32> to vector<1x16xf32>
      tpu.vector_store %arg8[%swap3A_1564, %swap3A_1565], %swap3A_1568 {strides = array<i32>} : memref<8x128xf32, #tpu.memory_space<vmem>>, vector<1x16xf32>,
      %get3A_1569 = arith.constant 7 : i32
      %get3A_1570 = arith.index_cast %get3A_1569 : i32 to index
      %get3A_1571 = arith.constant 64 : index
      %get3A_1572 = tpu.vector_load %arg8[%get3A_1570, %get3A_1571] {strides = array<i32>} : memref<8x128xf32, #tpu.memory_space<vmem>>, vector<1x16xf32>,
      %get3A_1573 = vector.shape_cast %get3A_1572 : vector<1x16xf32> to vector<16xf32>
      %get3A_1574 = arith.constant 0 : i32
      %get3A_1575 = arith.index_cast %get3A_1574 : i32 to index
      %get3A_1576 = arith.constant 64 : index
      %get3A_1577 = tpu.vector_load %arg6[%get3A_1575, %get3A_1576] {strides = array<i32>} : memref<1x128xf32, #tpu.memory_space<vmem>>, vector<1x16xf32>,
      %get3A_1578 = vector.shape_cast %get3A_1577 : vector<1x16xf32> to vector<16xf32>
      %mul3A_1579 = arith.mulf %get3A_1573, %get3A_1578 : vector<16xf32>
      %get3A_1580 = arith.constant 0 : i32
      %get3A_1581 = arith.index_cast %get3A_1580 : i32 to index
      %get3A_1582 = arith.constant 64 : index
      %get3A_1583 = tpu.vector_load %arg7[%get3A_1581, %get3A_1582] {strides = array<i32>} : memref<1x128xf32, #tpu.memory_space<vmem>>, vector<1x16xf32>,
      %get3A_1584 = vector.shape_cast %get3A_1583 : vector<1x16xf32> to vector<16xf32>
      %add3A_1585 = arith.addf %mul3A_1579, %get3A_1584 : vector<16xf32>
      %max3A_1586 = arith.constant 0.000000e+00 : f32
      %max3A_1587 = vector.broadcast %max3A_1586 : f32 to vector<16xf32>
      %max3A_1588 = arith.maximumf %add3A_1585, %max3A_1587 : vector<16xf32>
      %swap3A_1589 = arith.constant 7 : i32
      %swap3A_1590 = arith.index_cast %swap3A_1589 : i32 to index
      %swap3A_1591 = arith.constant 64 : index
      %swap3A_1592 = tpu.vector_load %arg8[%swap3A_1590, %swap3A_1591] {strides = array<i32>} : memref<8x128xf32, #tpu.memory_space<vmem>>, vector<1x16xf32>,
      %swap3A_1593 = vector.shape_cast %swap3A_1592 : vector<1x16xf32> to vector<16xf32>
      %swap3A_1594 = vector.shape_cast %max3A_1588 : vector<16xf32> to vector<1x16xf32>
      tpu.vector_store %arg8[%swap3A_1590, %swap3A_1591], %swap3A_1594 {strides = array<i32>} : memref<8x128xf32, #tpu.memory_space<vmem>>, vector<1x16xf32>,
      %get3A_1595 = arith.constant 7 : i32
      %get3A_1596 = arith.index_cast %get3A_1595 : i32 to index
      %get3A_1597 = arith.constant 80 : index
      %get3A_1598 = tpu.vector_load %arg8[%get3A_1596, %get3A_1597] {strides = array<i32>} : memref<8x128xf32, #tpu.memory_space<vmem>>, vector<1x16xf32>,
      %get3A_1599 = vector.shape_cast %get3A_1598 : vector<1x16xf32> to vector<16xf32>
      %get3A_1600 = arith.constant 0 : i32
      %get3A_1601 = arith.index_cast %get3A_1600 : i32 to index
      %get3A_1602 = arith.constant 80 : index
      %get3A_1603 = tpu.vector_load %arg6[%get3A_1601, %get3A_1602] {strides = array<i32>} : memref<1x128xf32, #tpu.memory_space<vmem>>, vector<1x16xf32>,
      %get3A_1604 = vector.shape_cast %get3A_1603 : vector<1x16xf32> to vector<16xf32>
      %mul3A_1605 = arith.mulf %get3A_1599, %get3A_1604 : vector<16xf32>
      %get3A_1606 = arith.constant 0 : i32
      %get3A_1607 = arith.index_cast %get3A_1606 : i32 to index
      %get3A_1608 = arith.constant 80 : index
      %get3A_1609 = tpu.vector_load %arg7[%get3A_1607, %get3A_1608] {strides = array<i32>} : memref<1x128xf32, #tpu.memory_space<vmem>>, vector<1x16xf32>,
      %get3A_1610 = vector.shape_cast %get3A_1609 : vector<1x16xf32> to vector<16xf32>
      %add3A_1611 = arith.addf %mul3A_1605, %get3A_1610 : vector<16xf32>
      %max3A_1612 = arith.constant 0.000000e+00 : f32
      %max3A_1613 = vector.broadcast %max3A_1612 : f32 to vector<16xf32>
      %max3A_1614 = arith.maximumf %add3A_1611, %max3A_1613 : vector<16xf32>
      %swap3A_1615 = arith.constant 7 : i32
      %swap3A_1616 = arith.index_cast %swap3A_1615 : i32 to index
      %swap3A_1617 = arith.constant 80 : index
      %swap3A_1618 = tpu.vector_load %arg8[%swap3A_1616, %swap3A_1617] {strides = array<i32>} : memref<8x128xf32, #tpu.memory_space<vmem>>, vector<1x16xf32>,
      %swap3A_1619 = vector.shape_cast %swap3A_1618 : vector<1x16xf32> to vector<16xf32>
      %swap3A_1620 = vector.shape_cast %max3A_1614 : vector<16xf32> to vector<1x16xf32>
      tpu.vector_store %arg8[%swap3A_1616, %swap3A_1617], %swap3A_1620 {strides = array<i32>} : memref<8x128xf32, #tpu.memory_space<vmem>>, vector<1x16xf32>,
      %get3A_1621 = arith.constant 7 : i32
      %get3A_1622 = arith.index_cast %get3A_1621 : i32 to index
      %get3A_1623 = arith.constant 96 : index
      %get3A_1624 = tpu.vector_load %arg8[%get3A_1622, %get3A_1623] {strides = array<i32>} : memref<8x128xf32, #tpu.memory_space<vmem>>, vector<1x16xf32>,
      %get3A_1625 = vector.shape_cast %get3A_1624 : vector<1x16xf32> to vector<16xf32>
      %get3A_1626 = arith.constant 0 : i32
      %get3A_1627 = arith.index_cast %get3A_1626 : i32 to index
      %get3A_1628 = arith.constant 96 : index
      %get3A_1629 = tpu.vector_load %arg6[%get3A_1627, %get3A_1628] {strides = array<i32>} : memref<1x128xf32, #tpu.memory_space<vmem>>, vector<1x16xf32>,
      %get3A_1630 = vector.shape_cast %get3A_1629 : vector<1x16xf32> to vector<16xf32>
      %mul3A_1631 = arith.mulf %get3A_1625, %get3A_1630 : vector<16xf32>
      %get3A_1632 = arith.constant 0 : i32
      %get3A_1633 = arith.index_cast %get3A_1632 : i32 to index
      %get3A_1634 = arith.constant 96 : index
      %get3A_1635 = tpu.vector_load %arg7[%get3A_1633, %get3A_1634] {strides = array<i32>} : memref<1x128xf32, #tpu.memory_space<vmem>>, vector<1x16xf32>,
      %get3A_1636 = vector.shape_cast %get3A_1635 : vector<1x16xf32> to vector<16xf32>
      %add3A_1637 = arith.addf %mul3A_1631, %get3A_1636 : vector<16xf32>
      %max3A_1638 = arith.constant 0.000000e+00 : f32
      %max3A_1639 = vector.broadcast %max3A_1638 : f32 to vector<16xf32>
      %max3A_1640 = arith.maximumf %add3A_1637, %max3A_1639 : vector<16xf32>
      %swap3A_1641 = arith.constant 7 : i32
      %swap3A_1642 = arith.index_cast %swap3A_1641 : i32 to index
      %swap3A_1643 = arith.constant 96 : index
      %swap3A_1644 = tpu.vector_load %arg8[%swap3A_1642, %swap3A_1643] {strides = array<i32>} : memref<8x128xf32, #tpu.memory_space<vmem>>, vector<1x16xf32>,
      %swap3A_1645 = vector.shape_cast %swap3A_1644 : vector<1x16xf32> to vector<16xf32>
      %swap3A_1646 = vector.shape_cast %max3A_1640 : vector<16xf32> to vector<1x16xf32>
      tpu.vector_store %arg8[%swap3A_1642, %swap3A_1643], %swap3A_1646 {strides = array<i32>} : memref<8x128xf32, #tpu.memory_space<vmem>>, vector<1x16xf32>,
      %get3A_1647 = arith.constant 7 : i32
      %get3A_1648 = arith.index_cast %get3A_1647 : i32 to index
      %get3A_1649 = arith.constant 112 : index
      %get3A_1650 = tpu.vector_load %arg8[%get3A_1648, %get3A_1649] {strides = array<i32>} : memref<8x128xf32, #tpu.memory_space<vmem>>, vector<1x16xf32>,
      %get3A_1651 = vector.shape_cast %get3A_1650 : vector<1x16xf32> to vector<16xf32>
      %get3A_1652 = arith.constant 0 : i32
      %get3A_1653 = arith.index_cast %get3A_1652 : i32 to index
      %get3A_1654 = arith.constant 112 : index
      %get3A_1655 = tpu.vector_load %arg6[%get3A_1653, %get3A_1654] {strides = array<i32>} : memref<1x128xf32, #tpu.memory_space<vmem>>, vector<1x16xf32>,
      %get3A_1656 = vector.shape_cast %get3A_1655 : vector<1x16xf32> to vector<16xf32>
      %mul3A_1657 = arith.mulf %get3A_1651, %get3A_1656 : vector<16xf32>
      %get3A_1658 = arith.constant 0 : i32
      %get3A_1659 = arith.index_cast %get3A_1658 : i32 to index
      %get3A_1660 = arith.constant 112 : index
      %get3A_1661 = tpu.vector_load %arg7[%get3A_1659, %get3A_1660] {strides = array<i32>} : memref<1x128xf32, #tpu.memory_space<vmem>>, vector<1x16xf32>,
      %get3A_1662 = vector.shape_cast %get3A_1661 : vector<1x16xf32> to vector<16xf32>
      %add3A_1663 = arith.addf %mul3A_1657, %get3A_1662 : vector<16xf32>
      %max3A_1664 = arith.constant 0.000000e+00 : f32
      %max3A_1665 = vector.broadcast %max3A_1664 : f32 to vector<16xf32>
      %max3A_1666 = arith.maximumf %add3A_1663, %max3A_1665 : vector<16xf32>
      %swap3A_1667 = arith.constant 7 : i32
      %swap3A_1668 = arith.index_cast %swap3A_1667 : i32 to index
      %swap3A_1669 = arith.constant 112 : index
      %swap3A_1670 = tpu.vector_load %arg8[%swap3A_1668, %swap3A_1669] {strides = array<i32>} : memref<8x128xf32, #tpu.memory_space<vmem>>, vector<1x16xf32>,
      %swap3A_1671 = vector.shape_cast %swap3A_1670 : vector<1x16xf32> to vector<16xf32>
      %swap3A_1672 = vector.shape_cast %max3A_1666 : vector<16xf32> to vector<1x16xf32>
      tpu.vector_store %arg8[%swap3A_1668, %swap3A_1669], %swap3A_1672 {strides = array<i32>} : memref<8x128xf32, #tpu.memory_space<vmem>>, vector<1x16xf32>,
      "tpu.region"() ({
        %run_scoped3A = tpu.sem_alloc : memref<!tpu.dma_semaphore, #tpu.memory_space<semaphore_mem>>
        %dma_start3A = arith.constant 0 : i32
        %dma_start3A_1673 = tpu.memref_slice %arg5[%add3A_11, %dma_start3A] : memref<9984x128xf32, #tpu.memory_space<hbm>> -> memref<8x128xf32, #tpu.memory_space<hbm>>
        %dma_start3A_1674 = arith.constant 0 : i32
        %dma_start3A_1675 = tpu.memref_slice %arg5[%add3A_11, %dma_start3A_1674] : memref<9984x128xf32, #tpu.memory_space<hbm>> -> memref<8x128xf32, #tpu.memory_space<hbm>>
        tpu.enqueue_dma source(%arg8 : memref<8x128xf32, #tpu.memory_space<vmem>>) target(%dma_start3A_1675 : memref<8x128xf32, #tpu.memory_space<hbm>>) target_semaphore(%run_scoped3A : memref<!tpu.dma_semaphore, #tpu.memory_space<semaphore_mem>>)
        %dma_wait3A = arith.constant 0 : i32
        %dma_wait3A_1676 = tpu.memref_slice %arg5[%add3A_11, %dma_wait3A] : memref<9984x128xf32, #tpu.memory_space<hbm>> -> memref<8x128xf32, #tpu.memory_space<hbm>>
        %dma_wait3A_1677 = arith.constant 0 : i32
        %dma_wait3A_1678 = tpu.memref_slice %arg5[%add3A_11, %dma_wait3A_1677] : memref<9984x128xf32, #tpu.memory_space<hbm>> -> memref<8x128xf32, #tpu.memory_space<hbm>>
        tpu.wait_dma2 semaphore(%run_scoped3A : memref<!tpu.dma_semaphore, #tpu.memory_space<semaphore_mem>>) src(%arg8 : memref<8x128xf32, #tpu.memory_space<vmem>>) dst(%dma_wait3A_1678 : memref<8x128xf32, #tpu.memory_space<hbm>>)
        tpu.yield
      }) : () -> ()
    }
    %scan3A_7 = arith.constant 39 : i32
    return
  }
}

</mosaic_0001>

<sc_bundles>
// kernel: kernel.3.cloned.1.call-start
scs
__scs_entry_jumppad:
0x0: {  	(pc) =	sbr.rel $0x88, $3  }
0x1: {  	(tag) =	ssettag $0x0;
	lr =	simm.s32 $0x1  }
0x2: {  	[smem:$0x3F9E] =	sst lr;
	_ =	strace $0xD0000000  }
0x3: {  	_ = 	snop  }
0x4: {  	_ = 	snop  }
0x5: {  	_ = 	snop  }
0x6: {  	_ = 	snop  }
0x7: {  	_ = 	snop  }
__scs_overlays_trampoline_lowered:
0x8: {  	[smem:$0x3FAD] =	sst s0  }
0x9: {  	[smem:$0x3FAE] =	sst s1  }
0xa: {  	[smem:$0x3FAF] =	sst s2  }
0xb: {  	[smem:$0x3FB0] =	sst s3  }
0xc: {  	[smem:$0x3FB1] =	sst s4  }
0xd: {  	[smem:$0x3FB2] =	sst s5  }
0xe: {  	[smem:$0x3FB3] =	sst s6  }
0xf: {  	[smem:$0x3FB4] =	sst s7  }
0x10: {  	[smem:$0x3FB5] =	sst s8  }
0x11: {  	[smem:$0x3FB6] =	sst s9;
	s0 =	simm.s32 @!p0 $0x0  }
0x12: {  	s1 =	sld [smem:$0x3F9C];
	s0 =	simm.s32 @p0 $0x1  }
0x13: {  	[smem:$0x3FB7] =	sst s0;
	s0 =	simm.s32 @!p1 $0x0  }
0x14: {  	s2 =	sld [smem:$0x3F9B];
	s0 =	simm.s32 @p1 $0x1  }
0x15: {  	[smem:$0x3FB8] =	sst s0;
	s0 =	simm.s32 @!p2 $0x0  }
0x16: {  	s3 =	sld [smem:$0x3FDB];
	s0 =	simm.s32 @p2 $0x1  }
0x17: {  	s4 =	simm.s32 $0x1BF5;
	[smem:$0x3FBA] =	sst s0  }
0x18: {  	s0 =	sld [smem:$0x3F9D];
	_ =	swait.ge [sflag:s4], $0x0  }
0x19: {  	s7 =	sld [smem:$0x3F9E]  }
0x1a: {  	s8 =	sadd.s32 $0xFFFFE003, lr  }
0x1b: {  	s9 =	sadd.s32 $0xFFFFFEF7, lr;
	s5 =	simm.s32 $0xFFFFFFFF;
	p2 =	slt.u32 s8, $0xFFFFF086  }
0x1c: {  	p1 =	slt.u32 s9, $0xF7A;
	s5 =	simm.s32 @!p2 $0x0  }
0x1d: {  	s5 =	simm.s32 @p1 $0x1;
	p0 =	seq.s32 s7, s2  }
0x1e: {  	s7 =	smul.u32 @!p0 $0xF7A, s2;
	p2 =	seq.s32 @!p0 s5, $0x0  }
0x1f: {  	s9 =	smul.u32 $0xF7A, s1;
	s8 =	simm.s32 @!p0 $0x1BF5;
	p2 =	por !p2, p0  }
0x20: {  	[sflag:s8] =	ssyncset.s32 @!p0 $0xFFFFF086;
	s6 =	sadd.s32 @!p0 s3, s7;
	s7 =	simm.s32 @!p0 $0x108  }
0x21: {  	s3 =	sadd.s32 s3, s9;
	s6 =	sadd.s32 @!p0 $0x88, s6;
	s7 =	simm.s32 @p2 $0x1082  }
0x22: {  	[simem:s7], [sflag:s8] =	dma.local @!p0 [hbm:s6], $0xF7A  }
0x23: {  	s9 =	sor.u32 $0xD0000000, s2;
	s6 =	simm.s32 $0x108;
	_ =	swait.ge @!p0 [sflag:s8], $0x0  }
0x24: {  	s3 =	sadd.s32 $0x88, s3;
	s6 =	simm.s32 @!p1 $0x1082;
	[sflag:s4] =	ssyncset.s32 $0xFFFFF086  }
0x25: {  	[simem:s6], [sflag:s4] =	dma.local [hbm:s3], $0xF7A  }
0x26: {  	[smem:$0x3F9E] =	sst s1;
	(tag) =	ssettag s2;
	_ =	strace s9  }
0x27: {  	s1 =	sld [smem:$0x3FAE]  }
0x28: {  	s2 =	sld [smem:$0x3FAF]  }
0x29: {  	s4 =	sld [smem:$0x3FB1]  }
0x2a: {  	p0 =	seq.s32 s5, $0x0;
	s5 =	sld [smem:$0x3FB2]  }
0x2b: {  	s6 =	sld [smem:$0x3FB3]  }
0x2c: {  	s7 =	sld [smem:$0x3FB4]  }
0x2d: {  	s3 =	simm.s32 $0x108;
	s8 =	sld [smem:$0x3FB5]  }
0x2e: {  	s3 =	simm.s32 @!p0 $0x1082;
	s9 =	sld [smem:$0x3FB6]  }
0x2f: {  	lr =	sadd.s32 s0, s3;
	s0 =	sld [smem:$0x3FAD]  }
0x30: {  	s3 =	sld [smem:$0x3FB0]  }
0x31: {  	[smem:$0x3FB9] =	sst s10  }
0x32: {  	s10 =	sld [smem:$0x3FB7];
	_ =	sdelay $0x3  }
0x33: {  	p0 =	seq.s32 s10, $0x1;
	s10 =	sld [smem:$0x3FB9];
	_ =	sdelay $0x3  }
0x34: {  	[smem:$0x3FB9] =	sst s10  }
0x35: {  	s10 =	sld [smem:$0x3FB8];
	_ =	sdelay $0x3  }
0x36: {  	p1 =	seq.s32 s10, $0x1;
	s10 =	sld [smem:$0x3FB9];
	_ =	sdelay $0x3  }
0x37: {  	[smem:$0x3FB9] =	sst s10  }
0x38: {  	s10 =	sld [smem:$0x3FBA]  }
0x39: {  	_ = 	snop;
	(pc) =	sbr.ind lr, $3  }
0x3a: {  	_ = 	snop  }
0x3b: {  	_ = 	snop  }
0x3c: {  	p2 =	seq.s32 s10, $0x1;
	s10 =	sld [smem:$0x3FB9]  }
0x3d: {  	_ =	shalt  }
0x3e: {  	_ =	shalt  }
0x3f: {  	_ =	shalt  }
0x40: {  	_ =	shalt  }
0x41: {  	_ =	shalt  }
0x42: {  	_ =	shalt  }
0x43: {  	_ =	shalt  }
0x44: {  	_ =	shalt  }
0x45: {  	_ =	shalt  }
0x46: {  	_ =	shalt  }
0x47: {  	_ =	shalt  }
0x48: {  	_ =	shalt  }
0x49: {  	_ =	shalt  }
0x4a: {  	_ =	shalt  }
0x4b: {  	_ =	shalt  }
0x4c: {  	_ =	shalt  }
0x4d: {  	_ =	shalt  }
0x4e: {  	_ =	shalt  }
0x4f: {  	_ =	shalt  }
0x50: {  	_ =	shalt  }
0x51: {  	_ =	shalt  }
0x52: {  	_ =	shalt  }
0x53: {  	_ =	shalt  }
0x54: {  	_ =	shalt  }
0x55: {  	_ =	shalt  }
0x56: {  	_ =	shalt  }
0x57: {  	_ =	shalt  }
0x58: {  	_ =	shalt  }
0x59: {  	_ =	shalt  }
0x5a: {  	_ =	shalt  }
0x5b: {  	_ =	shalt  }
0x5c: {  	_ =	shalt  }
0x5d: {  	_ =	shalt  }
0x5e: {  	_ =	shalt  }
0x5f: {  	_ =	shalt  }
0x60: {  	_ =	shalt  }
0x61: {  	_ =	shalt  }
0x62: {  	_ =	shalt  }
0x63: {  	_ =	shalt  }
0x64: {  	_ =	shalt  }
0x65: {  	_ =	shalt  }
0x66: {  	_ =	shalt  }
0x67: {  	_ =	shalt  }
0x68: {  	_ =	shalt  }
0x69: {  	_ =	shalt  }
0x6a: {  	_ =	shalt  }
0x6b: {  	_ =	shalt  }
0x6c: {  	_ =	shalt  }
0x6d: {  	_ =	shalt  }
0x6e: {  	_ =	shalt  }
0x6f: {  	_ =	shalt  }
0x70: {  	_ =	shalt  }
0x71: {  	_ =	shalt  }
0x72: {  	_ =	shalt  }
0x73: {  	_ =	shalt  }
0x74: {  	_ =	shalt  }
0x75: {  	_ =	shalt  }
0x76: {  	_ =	shalt  }
0x77: {  	_ =	shalt  }
0x78: {  	_ =	shalt  }
0x79: {  	_ =	shalt  }
0x7a: {  	_ =	shalt  }
0x7b: {  	_ =	shalt  }
0x7c: {  	_ =	shalt  }
0x7d: {  	_ =	shalt  }
0x7e: {  	_ =	shalt  }
0x7f: {  	_ =	shalt  }
0x80: {  	_ =	shalt  }
0x81: {  	_ =	shalt  }
0x82: {  	_ =	shalt  }
0x83: {  	_ =	shalt  }
0x84: {  	_ =	shalt  }
0x85: {  	_ =	shalt  }
0x86: {  	_ =	shalt  }
0x87: {  	_ =	shalt  }
.Lfunc_end0:
.L_simem_size_0:
called_computation_lowered:
.L_overlay_start_0:
0x88: {  	s2 =	sld [smem:$0x3FD9]  }
0x89: {  	s3 =	sld [smem:$0x3FFE];
	_ =	sdelay $0x1  }
0x8a: {  	s1 =	srdreg.scid  }
0x8b: {  	s0 =	sand.u32 $0x1, s1  }
0x8c: {  	s17 =	sshll.u32 s0, $0xA;
	s2 =	sadd.s32 s3, s2  }
0x8d: {  	s2 =	sadd.s32 s2, s17  }
0x8e: {  	[smem:$0x3FC5] =	sst s2  }
0x8f: {  	_ = 	snop  }
0x90: {  	s2 =	sld [smem:$0x3FC8]  }
0x91: {  	s18 =	sld [smem:$0x3FC7]  }
0x92: {  	s4 =	sld [smem:$0x3FD0];
	(tm) =	ssettm $0x1  }
0x93: {  	s5 =	sld [smem:$0x3FFB];
	_ =	sdelay $0x3  }
0x94: {  	_ =	strace s5  }
0x95: {  	s5 =	sld [smem:$0x3FFC];
	_ =	sdelay $0x3  }
0x96: {  	_ =	strace s5  }
0x97: {  	s5 =	sld [smem:$0x3FFD];
	_ =	sdelay $0x3  }
0x98: {  	_ =	strace s5  }
0x99: {  	_ =	strace $0x8FFFFFFF  }
0x9a: {  	s19 =	sld [smem:$0x3FDB];
	_ =	sdelay $0x1  }
0x9b: {  	s6 =	simm.s32 $_scs_section_size  }
0x9c: {  	s7 =	simm.s32 $_size__tile_overlayer_lowered;
	s8 =	simm.s32 $_tile_overlayer_lowered  }
0x9d: {  	s22 =	simm.s32 $0x1BFF;
	s21 =	sshll.u32 s8, $0x1;
	s5 =	sadd.s32 s6, s19  }
0x9e: {  	s9 =	simm.s32 $0x0;
	s20 =	sshll.u32 s7, $0x1;
	s7 =	sadd.s32 s21, s5  }
0x9f: {  	[timem:s9], [sflag:s22] =	dma.local [hbm:s7], s20  }
0xa0: {  	_ =	swait.ge [sflag:s22], s20  }
0xa1: {  	s6 =	ssub.s32 $0x0, s20;
	[sflag:s22] =	ssyncset.done $0x0  }
0xa2: {  	[sflag:s22] =	ssyncadd.s32 s6;
	_ =	sdelay $0x1  }
0xa3: {  	s23 =	simm.s32 $0x1B8B  }
0xa4: {  	_ =	swait.ge [sflag:s23], $0x1  }
0xa5: {  	[sflag:s23] =	ssyncset.done $0x0  }
0xa6: {  	s25 =	simm.s32 $0x1B8E;
	s24 =	sld [smem:$0x3FFE];
	[sflag:s23] =	ssyncadd.s32 $0xFFFFFFFF  }
0xa7: {  	s26 =	simm.s32 $execute0_lowered;
	[smem:$0x3FD2] =	sst s25  }
0xa8: {  	s7 =	sshll.u32 s26, $0x1;
	_ =	strace $0x80000046;
	[dreg:$0x1] =	wrdreg $0xFFFFFFFF  }
0xa9: {  	s28 =	simm.s32 $_size_execute0_lowered;
	s5 =	sadd.s32 s5, s7;
	[dreg:$0x0] =	wrdreg $0x0  }
0xaa: {  	s7 =	sshll.u32 s28, $0x1;
	[dreg:$0x2] =	wrdreg s5  }
0xab: {  	[dreg:$0x3] =	wrdreg s7  }
0xac: {  	[dreg:$0x4] =	wrdreg $0xC0  }
0xad: {  	_ =	task [dreg:s9], $0x5FFFF  }
0xae: {  	[dreg:$0x1] =	wrdreg $0xFFFFFFFF  }
0xaf: {  	[dreg:$0x0] =	wrdreg $0x60  }
0xb0: {  	[dreg:$0x2] =	wrdreg s4  }
0xb1: {  	[dreg:$0x3] =	wrdreg s2  }
0xb2: {  	[dreg:$0x4] =	wrdreg s18  }
0xb3: {  	[dreg:$0x5] =	wrdreg s24  }
0xb4: {  	[dreg:$0x6] =	wrdreg $0x9  }
0xb5: {  	_ =	task.clear_ibuf [dreg:s9], $0x7FFFF;
	_ =	strace $0x90000046  }
0xb6: {  	s29 =	simm.s32 $0x9;
	_ =	strace $0x80000048  }
0xb7: {  	_ =	swait.ge [sflag:s29], $0x1  }
0xb8: {  	[sflag:s29] =	ssyncadd.s32 $0xFFFFFFFF  }
0xb9: {  	_ =	strace $0x90000048  }
0xba: {  	_ =	sfence  }
0xbb: {  	s30 =	sld [smem:$0x0];
	_ =	sdelay $0x2  }
0xbc: {  	s31 =	sshll.u32 s1, $0xD;
	s1 =	sshrl.u32 s1, $0x2  }
0xbd: {  	s3 =	sand.u32 $0x4000, s31;
	s1 =	sadd.s32 s1, s30  }
0xbe: {  	s0 =	sor.u32 s3, s0;
	s1 =	sshll.u32 s1, $0x11  }
0xbf: {  	s0 =	sor.u32 s1, s0  }
0xc0: {  	s0 =	sadd.s32 $0x8F2B, s0  }
0xc1: {  	[sflag:s0] =	ssyncadd.remote.s32 $0x1  }
0xc2: {  	_ =	sfence.sel $0xFFFF  }
0xc3: {  	[dreg:$0x0] =	wrdreg $0xFFFFFFFF;
	(pc) =	sbr.abs _section_cstart, $3  }
0xc4: {  	[dreg:$0x1] =	wrdreg $0xFFFFFFFF  }
0xc5: {  	_ =	task.clear_ibuf [dreg:s9], $0x2FFFF;
	_ =	strace $0x9FFFFFFF  }
0xc6: {  	(tm) =	ssettm $0x7FFFFFFF  }
0xc7: {  	_ =	shalt  }
tec
execute0_lowered:
.L_overlay_start_1:
0x0: {  	(tag) =	ssettag $0x1  }
0x1: {  	s6 =	rddreg [dreg:$0x0]  }
0x2: {  	s1 =	rddreg [dreg:$0x1]  }
0x3: {  	s3 =	rddreg [dreg:$0x2]  }
0x4: {  	s5 =	rddreg [dreg:$0x3];
	s4 =	srdreg.scid  }
0x5: {  	s0 =	rddreg [dreg:$0x4];
	s2 =	stileid.u32;
	s7 =	sand.u32 $0x1, s4  }
0x6: {  	s4 =	simm.s32 $0x0;
	s8 =	smul.u32 $0x2700, s2;
	s9 =	ssub.s32 $0x2, s7  }
0x7: {  	[smem:$0x7FF] =	sst s4;
	s7 =	smul.u32 $0x1380, s7;
	s10 =	sshrl.u32 s9, $0x1  }
0x8: {  	_ =	strace $0x80000047;
	s11 =	sadd.s32 s8, s5;
	s8 =	sadd.s32 s8, s6  }
0x9: {  	s30 =	ssub.s32 s9, s10;
	s31 =	sadd.s32 s7, s11;
	s7 =	sadd.s32 s7, s8  }
0xa: {  	s8 =	simm.s32 $0x1;
	s9 =	simm.s32 $0x80;
	s10 =	simm.s32 $0x100  }
0xb: {  	s11 =	simm.s32 $0x0;
	s5 =	smax.u32 s30, $0x1;
	s6 =	sadd.s32 $0x800, s31  }
.LBB2_1:
0xc: {  	[tilespmem:s4], [sflag:$0x1] =	stream.linear.gather [hbm4b:s1+s4], $0x80, $0x38;
	[tilespmem:$0x500] =	vst v63  }
0xd: {  	_ =	swait.ge [sflag:s8], $0x80  }
0xe: {  	[sflag:s8] =	ssyncset.done $0x0  }
0xf: {  	[sflag:s8] =	ssyncadd.s32 $0xFFFFFF80  }
0x10: {  	[tilespmem:s9], [sflag:$0x1] =	stream.linear.gather [hbm4b:s3+s4], $0x80, $0x38;
	[tilespmem:$0x500] =	vst v63  }
0x11: {  	_ =	swait.ge [sflag:s8], $0x80  }
0x12: {  	[sflag:s8] =	ssyncset.done $0x0  }
0x13: {  	s12 =	simm.s32 $0x0;
	[sflag:s8] =	ssyncadd.s32 $0xFFFFFF80  }
.LBB2_2:
0x14: {  	s13 =	sadd.s32 s12, s7  }
0x15: {  	[tilespmem:s10], [sflag:$0x1] =	stream.linear.gather [hbm4b:s13+s4], $0x400, $0x38;
	[tilespmem:$0x500] =	vst v63  }
0x16: {  	_ =	swait.ge [sflag:s8], $0x400  }
0x17: {  	[sflag:s8] =	ssyncset.done $0x0  }
0x18: {  	[sflag:s8] =	ssyncadd.s32 $0xFFFFFC00  }
0x19: {  	v62 =	vld [tilespmem:$0xD0];
	_ =	sdelay $0x4  }
0x1a: {  	[tilespmem:$0x1FB70] =	vst v62;
	v62 =	vld [tilespmem:$0x260];
	_ =	sdelay $0x4  }
0x1b: {  	[tilespmem:$0x1FB60] =	vst v62;
	v62 =	vld [tilespmem:$0xE0];
	_ =	sdelay $0x4  }
0x1c: {  	[tilespmem:$0x1FBA0] =	vst v62;
	v62 =	vld [tilespmem:$0x270];
	_ =	sdelay $0x4  }
0x1d: {  	[tilespmem:$0x1FB80] =	vst v62;
	v62 =	vld [tilespmem:$0x70];
	_ =	sdelay $0x4  }
0x1e: {  	[tilespmem:$0x1FB90] =	vst v62;
	v62 =	vld [tilespmem:$0xF0];
	_ =	sdelay $0x4  }
0x1f: {  	[tilespmem:$0x1FBD0] =	vst v62;
	v62 =	vld [tilespmem:$0x280];
	_ =	sdelay $0x4  }
0x20: {  	[tilespmem:$0x1FBB0] =	vst v62;
	v62 =	vld [tilespmem:$0x0];
	_ =	sdelay $0x4  }
0x21: {  	[tilespmem:$0x1FBC0] =	vst v62;
	v62 =	vld [tilespmem:$0x80];
	_ =	sdelay $0x4  }
0x22: {  	[tilespmem:$0x1FC00] =	vst v62;
	v62 =	vld [tilespmem:$0x290];
	_ =	sdelay $0x4  }
0x23: {  	[tilespmem:$0x1FBE0] =	vst v62;
	v62 =	vld [tilespmem:$0x10];
	_ =	sdelay $0x4  }
0x24: {  	[tilespmem:$0x1FBF0] =	vst v62;
	v62 =	vld [tilespmem:$0x90];
	_ =	sdelay $0x4  }
0x25: {  	[tilespmem:$0x1FC30] =	vst v62;
	v62 =	vld [tilespmem:$0x2A0];
	_ =	sdelay $0x4  }
0x26: {  	[tilespmem:$0x1FC10] =	vst v62;
	v62 =	vld [tilespmem:$0x20];
	_ =	sdelay $0x4  }
0x27: {  	[tilespmem:$0x1FC20] =	vst v62;
	v62 =	vld [tilespmem:$0xA0];
	_ =	sdelay $0x4  }
0x28: {  	[tilespmem:$0x1FC60] =	vst v62;
	v62 =	vld [tilespmem:$0x2B0];
	_ =	sdelay $0x4  }
0x29: {  	[tilespmem:$0x1FC40] =	vst v62;
	v62 =	vld [tilespmem:$0x30];
	_ =	sdelay $0x4  }
0x2a: {  	[tilespmem:$0x1FC50] =	vst v62;
	v62 =	vld [tilespmem:$0xB0];
	_ =	sdelay $0x4  }
0x2b: {  	[tilespmem:$0x1FC90] =	vst v62;
	v62 =	vld [tilespmem:$0x2C0];
	_ =	sdelay $0x4  }
0x2c: {  	[tilespmem:$0x1FC70] =	vst v62;
	v62 =	vld [tilespmem:$0x40];
	_ =	sdelay $0x4  }
0x2d: {  	[tilespmem:$0x1FC80] =	vst v62;
	v62 =	vld [tilespmem:$0xC0];
	_ =	sdelay $0x3  }
0x2e: {  	v10 =	vld [tilespmem:$0x100]  }
0x2f: {  	[tilespmem:$0x1FCC0] =	vst v62;
	v62 =	vld [tilespmem:$0x2D0]  }
0x30: {  	v5 =	vld [tilespmem:$0x0]  }
0x31: {  	v12 =	vld [tilespmem:$0x80]  }
0x32: {  	v6 =	vld [tilespmem:$0x110]  }
0x33: {  	v0 =	vld [tilespmem:$0x10]  }
0x34: {  	[tilespmem:$0x1FCA0] =	vst v62;
	v62 =	vld [tilespmem:$0x50]  }
0x35: {  	v13 =	vld [tilespmem:$0x90]  }
0x36: {  	v7 =	vld [tilespmem:$0x120]  }
0x37: {  	v1 =	vld [tilespmem:$0x20]  }
0x38: {  	v14 =	vld [tilespmem:$0xA0]  }
0x39: {  	[tilespmem:$0x1FCB0] =	vst v62;
	v62 =	vld [tilespmem:$0xD0]  }
0x3a: {  	v8 =	vld [tilespmem:$0x130]  }
0x3b: {  	v2 =	vld [tilespmem:$0x30]  }
0x3c: {  	v18 =	vld [tilespmem:$0xB0]  }
0x3d: {  	v4 =	vld [tilespmem:$0x140]  }
0x3e: {  	[tilespmem:$0x1FCF0] =	vst v62;
	v62 =	vld [tilespmem:$0x2E0]  }
0x3f: {  	v3 =	vld [tilespmem:$0x40]  }
0x40: {  	v20 =	vld [tilespmem:$0xC0]  }
0x41: {  	v11 =	vld [tilespmem:$0x150]  }
0x42: {  	v9 =	vld [tilespmem:$0x50]  }
0x43: {  	[tilespmem:$0x1FCD0] =	vst v62;
	v62 =	vld [tilespmem:$0x60]  }
0x44: {  	v24 =	vld [tilespmem:$0xD0]  }
0x45: {  	v16 =	vld [tilespmem:$0x160]  }
0x46: {  	v15 =	vld [tilespmem:$0x60]  }
0x47: {  	v26 =	vld [tilespmem:$0xE0]  }
0x48: {  	[tilespmem:$0x1FCE0] =	vst v62;
	v62 =	vld [tilespmem:$0xE0]  }
0x49: {  	v19 =	vld [tilespmem:$0x170]  }
0x4a: {  	v17 =	vld [tilespmem:$0x70]  }
0x4b: {  	v30 =	vld [tilespmem:$0xF0]  }
0x4c: {  	v22 =	vld [tilespmem:$0x180]  }
0x4d: {  	[tilespmem:$0x1FD20] =	vst v62;
	v62 =	vld [tilespmem:$0x2F0]  }
0x4e: {  	v21 =	vld [tilespmem:$0x0]  }
0x4f: {  	v50 =	vld [tilespmem:$0x80]  }
0x50: {  	v25 =	vld [tilespmem:$0x190]  }
0x51: {  	v23 =	vld [tilespmem:$0x10]  }
0x52: {  	[tilespmem:$0x1FD00] =	vst v62;
	v62 =	vld [tilespmem:$0x70]  }
0x53: {  	v60 =	vld [tilespmem:$0x90]  }
0x54: {  	v28 =	vld [tilespmem:$0x1A0]  }
0x55: {  	v27 =	vld [tilespmem:$0x20]  }
0x56: {  	v54 =	vld [tilespmem:$0xA0]  }
0x57: {  	[tilespmem:$0x1FD10] =	vst v62;
	v62 =	vld [tilespmem:$0xF0]  }
0x58: {  	v31 =	vld [tilespmem:$0x1B0]  }
0x59: {  	v29 =	vld [tilespmem:$0x30]  }
0x5a: {  	v39 =	vld [tilespmem:$0xB0]  }
0x5b: {  	v33 =	vld [tilespmem:$0x1C0]  }
0x5c: {  	[tilespmem:$0x1FD50] =	vst v62;
	v62 =	vld [tilespmem:$0x300]  }
0x5d: {  	v32 =	vld [tilespmem:$0x40]  }
0x5e: {  	v42 =	vld [tilespmem:$0xC0]  }
0x5f: {  	v35 =	vld [tilespmem:$0x1D0]  }
0x60: {  	v34 =	vld [tilespmem:$0x50]  }
0x61: {  	[tilespmem:$0x1FD30] =	vst v62;
	v62 =	vld [tilespmem:$0x0]  }
0x62: {  	v44 =	vld [tilespmem:$0xD0]  }
0x63: {  	v37 =	vld [tilespmem:$0x1E0]  }
0x64: {  	v36 =	vld [tilespmem:$0x60]  }
0x65: {  	v48 =	vld [tilespmem:$0xE0]  }
0x66: {  	[tilespmem:$0x1FD40] =	vst v62;
	v62 =	vld [tilespmem:$0x80]  }
0x67: {  	v40 =	vld [tilespmem:$0x1F0]  }
0x68: {  	v38 =	vld [tilespmem:$0x70]  }
0x69: {  	v51 =	vld [tilespmem:$0xF0]  }
0x6a: {  	v43 =	vld [tilespmem:$0x200]  }
0x6b: {  	[tilespmem:$0x1FD80] =	vst v62;
	v62 =	vld [tilespmem:$0x310]  }
0x6c: {  	v41 =	vld [tilespmem:$0x0]  }
0x6d: {  	v55 =	vld [tilespmem:$0x80]  }
0x6e: {  	v46 =	vld [tilespmem:$0x210]  }
0x6f: {  	v45 =	vld [tilespmem:$0x10]  }
0x70: {  	[tilespmem:$0x1FD60] =	vst v62;
	v62 =	vld [tilespmem:$0x10]  }
0x71: {  	v58 =	vld [tilespmem:$0x90]  }
0x72: {  	v49 =	vld [tilespmem:$0x220]  }
0x73: {  	v47 =	vld [tilespmem:$0x20]  }
0x74: {  	v52 =	vld [tilespmem:$0xA0]  }
0x75: {  	[tilespmem:$0x1FD70] =	vst v62;
	v62 =	vld [tilespmem:$0x90]  }
0x76: {  	v53 =	vld [tilespmem:$0x230]  }
0x77: {  	v56 =	vld [tilespmem:$0xB0]  }
0x78: {  	v57 =	vld [tilespmem:$0x240]  }
0x79: {  	v59 =	vld [tilespmem:$0xC0]  }
0x7a: {  	[tilespmem:$0x1FDB0] =	vst v62;
	v62 =	vld [tilespmem:$0x320]  }
0x7b: {  	v61 =	vld [tilespmem:$0x250]  }
0x7c: {  	v63 =	vld [tilespmem:$0x60]  }
0x7d: {  	[tilespmem:$0x1FB30] =	vst v52;
	v52 =	vld [tilespmem:$0x30]  }
0x7e: {  	[tilespmem:$0x1FB40] =	vst v56;
	v56 =	vld [tilespmem:$0x40]  }
0x7f: {  	[tilespmem:$0x1FD90] =	vst v62;
	v62 =	vld [tilespmem:$0x20]  }
0x80: {  	[tilespmem:$0x1FB50] =	vst v59;
	v59 =	vld [tilespmem:$0x50]  }
0x81: {  	v5 =	vmul.f32 v5, v10;
	v10 =	vld [tilespmem:$0x3C0]  }
0x82: {  	v11 =	vmul.f32 v9, v11;
	v9 =	vld [tilespmem:$0x80]  }
0x83: {  	v3 =	vmul.f32 v3, v4;
	v4 =	vld [tilespmem:$0x20]  }
0x84: {  	v0 =	vmul.f32 v0, v6;
	v1 =	vmul.f32 v1, v7;
	[tilespmem:$0x1FDA0] =	vst v62;
	v62 =	vld [tilespmem:$0xA0]  }
0x85: {  	v2 =	vmul.f32 v2, v8;
	v17 =	vmul.f32 v17, v19;
	v5 =	vadd.f32 v12, v5;
	v12 =	vld [tilespmem:$0x50]  }
0x86: {  	v27 =	vmul.f32 v27, v28;
	v1 =	vadd.f32 v14, v1;
	v14 =	vmul.f32 v15, v16;
	v15 =	vld [tilespmem:$0xD0]  }
0x87: {  	v37 =	vmul.f32 v36, v37;
	v0 =	vadd.f32 v13, v0;
	v2 =	vadd.f32 v18, v2;
	v18 =	vld [tilespmem:$0x3E0]  }
0x88: {  	v43 =	vmul.f32 v41, v43;
	v13 =	vadd.f32 v20, v3;
	v20 =	vmul.f32 v21, v22;
	v21 =	vld [tilespmem:$0x60];
	[tilespmem:$0x1FF70] =	vst v10  }
0x89: {  	v16 =	vadd.f32 v24, v11;
	v22 =	vadd.f32 v30, v17;
	v0 =	vmax.f32 v0, $0.0e+00;
	[tilespmem:$0x1FDE0] =	vst v62;
	v62 =	vld [tilespmem:$0x330]  }
0x8a: {  	v24 =	vmul.f32 v23, v25;
	v25 =	vld [tilespmem:$0xE0];
	v3 =	vadd.f32 v48, v37;
	v1 =	vmax.f32 v1, $0.0e+00;
	[tilespmem:$0x110] =	vst v0  }
0x8b: {  	v30 =	vmul.f32 v29, v31;
	v31 =	vadd.f32 v54, v27;
	v54 =	vld [tilespmem:$0xF0];
	v2 =	vmax.f32 v2, $0.0e+00;
	[tilespmem:$0x120] =	vst v1  }
0x8c: {  	v6 =	vadd.f32 v55, v43;
	v17 =	vld [tilespmem:$0x1FB30];
	v3 =	vmax.f32 v3, $0.0e+00;
	[tilespmem:$0x130] =	vst v2  }
0x8d: {  	v19 =	vadd.f32 v26, v14;
	v26 =	vadd.f32 v50, v20;
	v50 =	vld [tilespmem:$0x3F0];
	[tilespmem:$0x1E0] =	vst v3  }
0x8e: {  	v6 =	vmax.f32 v6, $0.0e+00;
	[tilespmem:$0x1FDC0] =	vst v62;
	v62 =	vld [tilespmem:$0x30]  }
0x8f: {  	v28 =	vadd.f32 v60, v24;
	v60 =	vld [tilespmem:$0x70];
	v0 =	vmax.f32 v13, $0.0e+00;
	[tilespmem:$0x200] =	vst v6  }
0x90: {  	v8 =	vmax.f32 v5, $0.0e+00;
	v5 =	vld [tilespmem:$0x410];
	v1 =	vmax.f32 v16, $0.0e+00;
	[tilespmem:$0x140] =	vst v0  }
0x91: {  	v10 =	vld [tilespmem:$0x3D0];
	[tilespmem:$0x150] =	vst v1  }
0x92: {  	v13 =	vld [tilespmem:$0x400];
	[tilespmem:$0x1FFC0] =	vst v18  }
0x93: {  	[tilespmem:$0x1FDD0] =	vst v62;
	v62 =	vld [tilespmem:$0xB0]  }
0x94: {  	v3 =	vld [tilespmem:$0xA0];
	[tilespmem:$0x1FFD0] =	vst v21  }
0x95: {  	v32 =	vmul.f32 v32, v33;
	v6 =	vld [tilespmem:$0x430];
	v2 =	vmax.f32 v19, $0.0e+00;
	[tilespmem:$0x1FFF0] =	vst v25  }
0x96: {  	v0 =	vmax.f32 v22, $0.0e+00;
	v19 =	vld [tilespmem:$0x1FB40];
	[tilespmem:$0x160] =	vst v2  }
0x97: {  	v34 =	vmul.f32 v34, v35;
	v35 =	vadd.f32 v42, v32;
	v22 =	vld [tilespmem:$0x1FB50];
	[tilespmem:$0x170] =	vst v0  }
0x98: {  	v42 =	vmul.f32 v38, v40;
	v33 =	vadd.f32 v39, v30;
	v1 =	vmax.f32 v26, $0.0e+00;
	[tilespmem:$0x1FE10] =	vst v62;
	v62 =	vld [tilespmem:$0x340]  }
0x99: {  	v23 =	vld [tilespmem:$0x1FB60];
	[tilespmem:$0x180] =	vst v1;
	v2 =	vmax.f32 v28, $0.0e+00  }
0x9a: {  	v48 =	vadd.f32 v51, v42;
	v51 =	vmul.f32 v45, v46;
	v1 =	vmax.f32 v33, $0.0e+00;
	v25 =	vld [tilespmem:$0x1FB70];
	[tilespmem:$0x190] =	vst v2  }
0x9b: {  	v39 =	vadd.f32 v44, v34;
	v0 =	vmax.f32 v31, $0.0e+00;
	[tilespmem:$0x1B0] =	vst v1;
	v1 =	vld [tilespmem:$0x10]  }
0x9c: {  	v55 =	vmul.f32 v47, v49;
	v58 =	vadd.f32 v58, v51;
	[tilespmem:$0x1A0] =	vst v0;
	v2 =	vld [tilespmem:$0x420]  }
0x9d: {  	v0 =	vmax.f32 v39, $0.0e+00;
	[tilespmem:$0x1FDF0] =	vst v62;
	v62 =	vld [tilespmem:$0x40]  }
0x9e: {  	v7 =	vadd.f32 v17, v55;
	v21 =	vmax.f32 v58, $0.0e+00;
	[tilespmem:$0x1D0] =	vst v0;
	v0 =	vld [tilespmem:$0x90]  }
0x9f: {  	[tilespmem:$0x210] =	vst v21;
	v21 =	vld [tilespmem:$0x50]  }
0xa0: {  	v7 =	vmax.f32 v7, $0.0e+00;
	[tilespmem:$0x1FFA0] =	vst v10;
	v10 =	vld [tilespmem:$0x0]  }
0xa1: {  	[tilespmem:$0x220] =	vst v7;
	v7 =	vld [tilespmem:$0xB0]  }
0xa2: {  	v18 =	vmul.f32 v56, v57;
	[tilespmem:$0x1FE00] =	vst v62;
	v62 =	vld [tilespmem:$0xC0]  }
0xa3: {  	v29 =	vld [tilespmem:$0x1FBA0]  }
0xa4: {  	[tilespmem:$0x100] =	vst v8;
	v20 =	vmul.f32 v59, v61;
	v11 =	vadd.f32 v22, v18;
	v22 =	vld [tilespmem:$0xD0]  }
0xa5: {  	[tilespmem:$0x1FFE0] =	vst v15;
	v15 =	vmul.f32 v52, v53;
	v24 =	vmul.f32 v63, v23;
	v23 =	vld [tilespmem:$0x460]  }
0xa6: {  	[tilespmem:$0x1FFB0] =	vst v12;
	v12 =	vadd.f32 v25, v20;
	v20 =	vld [tilespmem:$0x450]  }
0xa7: {  	v8 =	vadd.f32 v19, v15;
	[tilespmem:$0x1FE40] =	vst v62;
	v62 =	vld [tilespmem:$0x350]  }
0xa8: {  	v25 =	vld [tilespmem:$0xE0]  }
0xa9: {  	v28 =	vmax.f32 v8, $0.0e+00;
	v8 =	vld [tilespmem:$0x30];
	v11 =	vmax.f32 v11, $0.0e+00  }
0xaa: {  	[tilespmem:$0x240] =	vst v11;
	v12 =	vmax.f32 v12, $0.0e+00;
	v11 =	vld [tilespmem:$0x440]  }
0xab: {  	[tilespmem:$0x250] =	vst v12;
	v12 =	vld [tilespmem:$0xC0]  }
0xac: {  	[tilespmem:$0x1FE20] =	vst v62;
	v62 =	vld [tilespmem:$0x50]  }
0xad: {  	v10 =	vmul.f32 v10, v13;
	v13 =	vld [tilespmem:$0xB0]  }
0xae: {  	v26 =	vld [tilespmem:$0x1FB80]  }
0xaf: {  	v27 =	vld [tilespmem:$0x1FB90]  }
0xb0: {  	v14 =	vadd.f32 v29, v24;
	v24 =	vld [tilespmem:$0x60]  }
0xb1: {  	[tilespmem:$0x1FE30] =	vst v62;
	v62 =	vld [tilespmem:$0xD0]  }
0xb2: {  	v38 =	vmax.f32 v14, $0.0e+00;
	v14 =	vld [tilespmem:$0x40]  }
0xb3: {  	v32 =	vld [tilespmem:$0x1FBD0]  }
0xb4: {  	v15 =	vmul.f32 v27, v26;
	v26 =	vld [tilespmem:$0x470]  }
0xb5: {  	v27 =	vld [tilespmem:$0x70]  }
0xb6: {  	[tilespmem:$0x1FE70] =	vst v62;
	v62 =	vld [tilespmem:$0x360]  }
0xb7: {  	v30 =	vld [tilespmem:$0x1FBB0]  }
0xb8: {  	v31 =	vld [tilespmem:$0x1FBC0]  }
0xb9: {  	v44 =	vmax.f32 v35, $0.0e+00;
	v35 =	vld [tilespmem:$0x1FC00]  }
0xba: {  	v33 =	vld [tilespmem:$0x1FBE0]  }
0xbb: {  	[tilespmem:$0x1FE50] =	vst v62;
	v62 =	vld [tilespmem:$0x60]  }
0xbc: {  	v34 =	vld [tilespmem:$0x1FBF0]  }
0xbd: {  	v39 =	vld [tilespmem:$0x1FC30]  }
0xbe: {  	v36 =	vld [tilespmem:$0x1FC10]  }
0xbf: {  	v37 =	vld [tilespmem:$0x1FC20]  }
0xc0: {  	[tilespmem:$0x1FE60] =	vst v62;
	v62 =	vld [tilespmem:$0xE0]  }
0xc1: {  	v42 =	vld [tilespmem:$0x1FC60]  }
0xc2: {  	v40 =	vld [tilespmem:$0x1FC40]  }
0xc3: {  	v41 =	vld [tilespmem:$0x1FC50]  }
0xc4: {  	v45 =	vld [tilespmem:$0x1FC90]  }
0xc5: {  	[tilespmem:$0x1FEA0] =	vst v62;
	v62 =	vld [tilespmem:$0x370]  }
0xc6: {  	v43 =	vld [tilespmem:$0x1FC70]  }
0xc7: {  	[tilespmem:$0x1C0] =	vst v44;
	v44 =	vld [tilespmem:$0x1FC80]  }
0xc8: {  	v16 =	vmax.f32 v48, $0.0e+00;
	v48 =	vld [tilespmem:$0x1FCC0]  }
0xc9: {  	v46 =	vld [tilespmem:$0x1FCA0]  }
0xca: {  	[tilespmem:$0x1FE80] =	vst v62;
	v62 =	vld [tilespmem:$0x70]  }
0xcb: {  	v47 =	vld [tilespmem:$0x1FCB0]  }
0xcc: {  	v52 =	vld [tilespmem:$0x1FCF0]  }
0xcd: {  	v49 =	vld [tilespmem:$0x1FCD0]  }
0xce: {  	v51 =	vld [tilespmem:$0x1FCE0]  }
0xcf: {  	[tilespmem:$0x1FE90] =	vst v62;
	v62 =	vld [tilespmem:$0xF0]  }
0xd0: {  	[tilespmem:$0x1F0] =	vst v16;
	v15 =	vadd.f32 v32, v15;
	v16 =	vmul.f32 v31, v30;
	v56 =	vld [tilespmem:$0x1FD20]  }
0xd1: {  	v17 =	vmul.f32 v34, v33;
	v53 =	vld [tilespmem:$0x1FD00]  }
0xd2: {  	[tilespmem:$0x230] =	vst v28;
	v15 =	vmax.f32 v15, $0.0e+00;
	v16 =	vadd.f32 v35, v16;
	v18 =	vmul.f32 v37, v36;
	v57 =	vld [tilespmem:$0x1FD30]  }
0xd3: {  	[tilespmem:$0x270] =	vst v15;
	v17 =	vadd.f32 v39, v17;
	v19 =	vmul.f32 v41, v40;
	v58 =	vld [tilespmem:$0x1FD40]  }
0xd4: {  	v16 =	vmax.f32 v16, $0.0e+00;
	v15 =	vadd.f32 v42, v18;
	[tilespmem:$0x1FED0] =	vst v62;
	v62 =	vld [tilespmem:$0x380]  }
0xd5: {  	[tilespmem:$0x280] =	vst v16;
	v17 =	vmax.f32 v17, $0.0e+00;
	v16 =	vadd.f32 v45, v19;
	v18 =	vmul.f32 v44, v43;
	v55 =	vld [tilespmem:$0x1FD10]  }
0xd6: {  	[tilespmem:$0x290] =	vst v17;
	v15 =	vmax.f32 v15, $0.0e+00;
	v19 =	vmul.f32 v47, v46;
	v28 =	vld [tilespmem:$0x1FD80]  }
0xd7: {  	[tilespmem:$0x2A0] =	vst v15;
	v16 =	vmax.f32 v16, $0.0e+00;
	v17 =	vadd.f32 v48, v18;
	v18 =	vmul.f32 v51, v49;
	v59 =	vld [tilespmem:$0x1FD50]  }
0xd8: {  	[tilespmem:$0x2B0] =	vst v16;
	v15 =	vadd.f32 v52, v19;
	v61 =	vld [tilespmem:$0x1FD60]  }
0xd9: {  	v16 =	vadd.f32 v56, v18;
	v18 =	vmul.f32 v58, v57;
	[tilespmem:$0x1FEB0] =	vst v62;
	v62 =	vld [tilespmem:$0x0]  }
0xda: {  	v15 =	vmax.f32 v15, $0.0e+00;
	v63 =	vld [tilespmem:$0x1FD70]  }
0xdb: {  	[tilespmem:$0x2D0] =	vst v15;
	v15 =	vadd.f32 v28, v18;
	v28 =	vld [tilespmem:$0xF0]  }
0xdc: {  	v31 =	vld [tilespmem:$0x1FDB0]  }
0xdd: {  	v19 =	vmul.f32 v55, v53;
	v29 =	vld [tilespmem:$0x1FD90]  }
0xde: {  	v17 =	vmax.f32 v17, $0.0e+00;
	[tilespmem:$0x1FEC0] =	vst v62;
	v62 =	vld [tilespmem:$0x80]  }
0xdf: {  	[tilespmem:$0x2C0] =	vst v17;
	v17 =	vadd.f32 v59, v19;
	v19 =	vmul.f32 v63, v61;
	v30 =	vld [tilespmem:$0x1FDA0]  }
0xe0: {  	v16 =	vmax.f32 v16, $0.0e+00;
	v63 =	vld [tilespmem:$0x1FF70]  }
0xe1: {  	[tilespmem:$0x2E0] =	vst v16;
	v16 =	vadd.f32 v31, v19;
	v31 =	vld [tilespmem:$0x80]  }
0xe2: {  	v34 =	vld [tilespmem:$0x1FDE0]  }
0xe3: {  	[tilespmem:$0x1FF00] =	vst v62;
	v62 =	vld [tilespmem:$0x390]  }
0xe4: {  	v18 =	vmul.f32 v30, v29;
	v29 =	vld [tilespmem:$0x480]  }
0xe5: {  	v32 =	vld [tilespmem:$0x1FDC0]  }
0xe6: {  	v33 =	vld [tilespmem:$0x1FDD0]  }
0xe7: {  	v30 =	vld [tilespmem:$0x0]  }
0xe8: {  	v17 =	vmax.f32 v17, $0.0e+00;
	[tilespmem:$0x1FEE0] =	vst v62;
	v62 =	vld [tilespmem:$0x10]  }
0xe9: {  	[tilespmem:$0x2F0] =	vst v17;
	v17 =	vadd.f32 v34, v18;
	v34 =	vld [tilespmem:$0x90]  }
0xea: {  	v37 =	vld [tilespmem:$0x1FE10]  }
0xeb: {  	v19 =	vmul.f32 v33, v32;
	v32 =	vld [tilespmem:$0x490]  }
0xec: {  	v33 =	vld [tilespmem:$0x10]  }
0xed: {  	[tilespmem:$0x1FEF0] =	vst v62;
	v62 =	vld [tilespmem:$0x90]  }
0xee: {  	v15 =	vmax.f32 v15, $0.0e+00;
	v35 =	vld [tilespmem:$0x1FDF0]  }
0xef: {  	[tilespmem:$0x300] =	vst v15;
	v15 =	vadd.f32 v37, v19;
	v37 =	vld [tilespmem:$0xA0]  }
0xf0: {  	v36 =	vld [tilespmem:$0x1FE00]  }
0xf1: {  	v40 =	vld [tilespmem:$0x1FE40]  }
0xf2: {  	[tilespmem:$0x1FF30] =	vst v62;
	v62 =	vld [tilespmem:$0x3A0]  }
0xf3: {  	[tilespmem:$0x260] =	vst v38;
	v38 =	vld [tilespmem:$0x1FE20]  }
0xf4: {  	v39 =	vld [tilespmem:$0x1FE30]  }
0xf5: {  	v18 =	vmul.f32 v36, v35;
	v35 =	vld [tilespmem:$0x4A0]  }
0xf6: {  	v36 =	vld [tilespmem:$0x20]  }
0xf7: {  	[tilespmem:$0x1FF10] =	vst v62;
	v62 =	vld [tilespmem:$0x20]  }
0xf8: {  	v43 =	vld [tilespmem:$0x1FE70]  }
0xf9: {  	v19 =	vmul.f32 v39, v38;
	v38 =	vld [tilespmem:$0x4B0]  }
0xfa: {  	v41 =	vld [tilespmem:$0x1FE50]  }
0xfb: {  	v42 =	vld [tilespmem:$0x1FE60]  }
0xfc: {  	v17 =	vmax.f32 v17, $0.0e+00;
	[tilespmem:$0x1FF20] =	vst v62;
	v62 =	vld [tilespmem:$0xA0]  }
0xfd: {  	[tilespmem:$0x320] =	vst v17;
	v17 =	vadd.f32 v43, v19;
	v43 =	vld [tilespmem:$0x1FFB0]  }
0xfe: {  	v46 =	vld [tilespmem:$0x1FEA0]  }
0xff: {  	v16 =	vmax.f32 v16, $0.0e+00;
	v44 =	vld [tilespmem:$0x1FE80]  }
0x100: {  	[tilespmem:$0x310] =	vst v16;
	v45 =	vld [tilespmem:$0x1FE90]  }
0x101: {  	v16 =	vadd.f32 v40, v18;
	v18 =	vmul.f32 v42, v41;
	[tilespmem:$0x1FF60] =	vst v62;
	v62 =	vld [tilespmem:$0x3B0]  }
0x102: {  	v15 =	vmax.f32 v15, $0.0e+00;
	v42 =	vld [tilespmem:$0x1FFA0]  }
0x103: {  	[tilespmem:$0x330] =	vst v15;
	v15 =	vadd.f32 v46, v18;
	v46 =	vld [tilespmem:$0x1FFD0]  }
0x104: {  	v49 =	vld [tilespmem:$0x1FED0]  }
0x105: {  	v19 =	vmul.f32 v45, v44;
	v45 =	vld [tilespmem:$0x1FFC0]  }
0x106: {  	[tilespmem:$0x1FF40] =	vst v62;
	v62 =	vld [tilespmem:$0x30]  }
0x107: {  	v47 =	vld [tilespmem:$0x1FEB0]  }
0x108: {  	v48 =	vld [tilespmem:$0x1FEC0]  }
0x109: {  	v53 =	vld [tilespmem:$0x1FF00]  }
0x10a: {  	v51 =	vld [tilespmem:$0x1FEE0]  }
0x10b: {  	[tilespmem:$0x1FF50] =	vst v62;
	v62 =	vld [tilespmem:$0xB0]  }
0x10c: {  	v1 =	vmul.f32 v1, v5;
	v52 =	vld [tilespmem:$0x1FEF0]  }
0x10d: {  	v57 =	vld [tilespmem:$0x1FF30]  }
0x10e: {  	v0 =	vadd.f32 v0, v1;
	v55 =	vld [tilespmem:$0x1FF10]  }
0x10f: {  	v56 =	vld [tilespmem:$0x1FF20]  }
0x110: {  	v0 =	vmax.f32 v0, $0.0e+00;
	[tilespmem:$0x1FF90] =	vst v62;
	v62 =	vld [tilespmem:$0x40]  }
0x111: {  	[tilespmem:$0x410] =	vst v0;
	v16 =	vmax.f32 v16, $0.0e+00;
	v61 =	vld [tilespmem:$0x1FF60]  }
0x112: {  	[tilespmem:$0x340] =	vst v16;
	v17 =	vmax.f32 v17, $0.0e+00;
	v18 =	vmul.f32 v48, v47;
	v58 =	vld [tilespmem:$0x1FF40]  }
0x113: {  	[tilespmem:$0x350] =	vst v17;
	v15 =	vmax.f32 v15, $0.0e+00;
	v16 =	vadd.f32 v49, v19;
	v19 =	vmul.f32 v52, v51;
	v59 =	vld [tilespmem:$0x1FF50]  }
0x114: {  	v2 =	vmul.f32 v4, v2;
	[tilespmem:$0x360] =	vst v15;
	v49 =	vld [tilespmem:$0x30];
	v17 =	vadd.f32 v53, v18  }
0x115: {  	v16 =	vmax.f32 v16, $0.0e+00;
	v48 =	vmul.f32 v60, v50;
	v15 =	vadd.f32 v57, v19;
	v41 =	vld [tilespmem:$0x1FF90];
	[tilespmem:$0x1FF80] =	vst v62  }
0x116: {  	[tilespmem:$0x370] =	vst v16;
	v17 =	vmax.f32 v17, $0.0e+00;
	v57 =	vadd.f32 v3, v2;
	v18 =	vmul.f32 v56, v55;
	v40 =	vld [tilespmem:$0x1FF80]  }
0x117: {  	v6 =	vmul.f32 v8, v6;
	v47 =	vld [tilespmem:$0x1FFE0];
	[tilespmem:$0x380] =	vst v17;
	v51 =	vadd.f32 v54, v48;
	v15 =	vmax.f32 v15, $0.0e+00  }
0x118: {  	v1 =	vmax.f32 v57, $0.0e+00;
	[tilespmem:$0x390] =	vst v15;
	v16 =	vadd.f32 v61, v18;
	v19 =	vmul.f32 v59, v58;
	v62 =	vld [tilespmem:$0xC0]  }
0x119: {  	v9 =	vadd.f32 v9, v10;
	v50 =	vld [tilespmem:$0x1FFF0];
	[tilespmem:$0x420] =	vst v1;
	v55 =	vmax.f32 v51, $0.0e+00;
	v61 =	vadd.f32 v7, v6  }
0x11a: {  	v60 =	vld [tilespmem:$0x4D0];
	[tilespmem:$0x3F0] =	vst v55;
	v16 =	vmax.f32 v16, $0.0e+00;
	v17 =	vadd.f32 v41, v19;
	v19 =	vmul.f32 v43, v42  }
0x11b: {  	v52 =	vld [tilespmem:$0x4C0];
	v2 =	vmax.f32 v61, $0.0e+00;
	[tilespmem:$0x3A0] =	vst v16;
	v59 =	vmul.f32 v14, v11;
	v18 =	vmul.f32 v40, v63  }
0x11c: {  	v54 =	vld [tilespmem:$0x40];
	[tilespmem:$0x430] =	vst v2;
	v58 =	vmax.f32 v9, $0.0e+00;
	v16 =	vadd.f32 v47, v19;
	v17 =	vmax.f32 v17, $0.0e+00  }
0x11d: {  	v56 =	vld [tilespmem:$0xC0];
	[tilespmem:$0x400] =	vst v58;
	v19 =	vadd.f32 v12, v59;
	v44 =	vadd.f32 v62, v18;
	v18 =	vmul.f32 v46, v45  }
0x11e: {  	v41 =	vld [tilespmem:$0x60];
	[tilespmem:$0x3B0] =	vst v17;
	v16 =	vmax.f32 v16, $0.0e+00;
	v62 =	vmul.f32 v21, v20  }
0x11f: {  	v47 =	vld [tilespmem:$0x70];
	v0 =	vmax.f32 v19, $0.0e+00;
	[tilespmem:$0x3D0] =	vst v16;
	v20 =	vmul.f32 v24, v23;
	v17 =	vadd.f32 v50, v18  }
0x120: {  	v63 =	vld [tilespmem:$0x50];
	[tilespmem:$0x440] =	vst v0;
	v24 =	vmul.f32 v27, v26;
	v15 =	vmax.f32 v44, $0.0e+00;
	v23 =	vadd.f32 v22, v62  }
0x121: {  	v40 =	vmul.f32 v30, v29;
	v21 =	vld [tilespmem:$0xD0];
	v27 =	vadd.f32 v25, v20;
	[tilespmem:$0x3C0] =	vst v15;
	v53 =	vmax.f32 v17, $0.0e+00  }
0x122: {  	v43 =	vmul.f32 v33, v32;
	v26 =	vld [tilespmem:$0x4E0];
	v42 =	vadd.f32 v28, v24;
	v1 =	vmax.f32 v23, $0.0e+00;
	[tilespmem:$0x3E0] =	vst v53  }
0x123: {  	v45 =	vadd.f32 v31, v40;
	v46 =	vmul.f32 v36, v35;
	v44 =	vld [tilespmem:$0x4F0];
	v2 =	vmax.f32 v27, $0.0e+00;
	[tilespmem:$0x450] =	vst v1  }
0x124: {  	v49 =	vmul.f32 v49, v38;
	v48 =	vadd.f32 v34, v43;
	v50 =	vld [tilespmem:$0xE0];
	v0 =	vmax.f32 v42, $0.0e+00;
	[tilespmem:$0x460] =	vst v2  }
0x125: {  	v52 =	vmul.f32 v54, v52;
	v51 =	vadd.f32 v37, v46;
	[tilespmem:$0x470] =	vst v0;
	v1 =	vmax.f32 v45, $0.0e+00;
	v53 =	vld [tilespmem:$0xF0]  }
0x126: {  	v54 =	vadd.f32 v13, v49;
	v55 =	vmul.f32 v63, v60;
	v2 =	vmax.f32 v48, $0.0e+00;
	[tilespmem:$0x480] =	vst v1  }
0x127: {  	v56 =	vadd.f32 v56, v52;
	v57 =	vmul.f32 v41, v26;
	v0 =	vmax.f32 v51, $0.0e+00;
	[tilespmem:$0x490] =	vst v2  }
0x128: {  	v58 =	vadd.f32 v21, v55;
	[tilespmem:$0x4A0] =	vst v0;
	v1 =	vmax.f32 v54, $0.0e+00;
	v59 =	vmul.f32 v47, v44  }
0x129: {  	v2 =	vmax.f32 v56, $0.0e+00;
	[tilespmem:$0x4B0] =	vst v1;
	v60 =	vadd.f32 v50, v57  }
0x12a: {  	[tilespmem:$0x4C0] =	vst v2;
	v0 =	vmax.f32 v58, $0.0e+00;
	v61 =	vadd.f32 v53, v59  }
0x12b: {  	[tilespmem:$0x4D0] =	vst v0;
	v62 =	vmax.f32 v60, $0.0e+00  }
0x12c: {  	p0 =	sne.s32 s12, $0x1300;
	[tilespmem:$0x4E0] =	vst v62;
	v63 =	vmax.f32 v61, $0.0e+00  }
.Ltmp0:
0x12d: {  	s31 =	sadd.s32 s12, s6;
	[tilespmem:$0x4F0] =	vst v63;
	(pc) =	sbr.rel @p0 .LBB2_2-.Ltmp0, $4  }
0x12e: {  	[hbm4b:s31+s4] =	stream.linear.scatter [tilespmem:s10], [sflag:$0x1], $0x400, $0x38;
	[tilespmem:$0x500] =	vst v63  }
0x12f: {  	_ =	swait.ge [sflag:s8], $0x400  }
0x130: {  	[sflag:s8] =	ssyncset.done $0x0  }
0x131: {  	s12 =	sadd.s32 $0x80, s12;
	[sflag:s8] =	ssyncadd.s32 $0xFFFFFC00  }
0x132: {  	s11 =	sadd.s32 $0x1, s11  }
0x133: {  	p0 =	sne.s32 s11, s5  }
.Ltmp1:
0x134: {  	_ = 	snop;
	(pc) =	sbr.rel @p0 .LBB2_1-.Ltmp1, $1  }
0x135: {  	_ =	sdelay $0x3  }
0x136: {  	_ =	sfence.sel $0x180000  }
0x137: {  	[bflag:$0x0] =	sbarrier.arrive $0xFFFF  }
0x138: {  	p0 =	sne.s32 s2, $0x0;
	_ =	strace $0x90000047  }
0x139: {  	s0 =	sadd.s32 @!p0 $0x100000, s0;
	[bflag:$0x2] =	sbarrier.arrive $0xFFFF  }
0x13a: {  	[sflag:s0] =	ssyncadd.tile.s32 @!p0 $0x1;
	_ =	shalt  }
.Lfunc_end2:
_tile_overlayer_lowered:
.L_overlay_start_2:
0x13b: {  	(tag) =	ssettag $0x2  }
0x13c: {  	s0 =	rddreg [dreg:$0x0];
	s2 =	stileid.u32  }
0x13d: {  	s1 =	rddreg [dreg:$0x1];
	p0 =	sne.s32 s2, $0x0  }
0x13e: {  	s3 =	rddreg [dreg:$0x2];
	[bflag:$0x3] =	sbarrier.arrive $0xFFFF;
	s2 =	simm.s32 @!p0 $0x1C01  }
0x13f: {  	[timem:s3], [sflag:s2] =	dma.local @!p0 [hbm:s0], s1  }
0x140: {  	s0 =	simm.s32 @!p0 $0x1  }
0x141: {  	_ =	swait.ge @!p0 [sflag:s0], s1  }
0x142: {  	s1 =	ssub.s32 @!p0 $0x0, s1;
	[sflag:s0] =	ssyncset.done @!p0 $0x0  }
0x143: {  	[sflag:s0] =	ssyncadd.s32 @!p0 s1  }
0x144: {  	[bflag:$0x3] =	sbarrier.arrive $0xFFFF  }
0x145: {  	_ =	shalt  }

</sc_bundles>
